<compile_context>
chip_gen: v7x
topology: tpu7x:2x2x1
jax: 0.10.2.dev20260603
libtpu: 0.0.44.dev20260713+nightly
codegen_flags: <defaults>
</compile_context>

<pallas_src>
import functools

import jax
import jax.numpy as jnp
from jax import lax
from jax.experimental import pallas as pl
from jax.experimental.pallas import tpu as pltpu
from jax.experimental.pallas import tpu_sc as plsc

NUM_USERS = 20000
NUM_PRODUCTS = 30000
D = 64
NQ = 4
HQ = 16
N = NUM_USERS + NUM_PRODUCTS
E = 800000
NUM_LAYERS = 3

NC = 2
NS = 16
W = 128
NBUF = 2

N_PAD = 50048
NH = N_PAD // 2
NTRASH = 64
NACC = 25088
TRASH = NH
PAD_IDX = 50000
LAY_WPS = 392
E_PAD = NS * LAY_WPS * W
NR = NACC // NS

FR = N_PAD * HQ // 128
BR = 368
NBLK = FR // BR

_MESH = plsc.VectorSubcoreMesh(core_axis_name="c", subcore_axis_name="s")
_SC_PARAMS = pltpu.CompilerParams(use_tc_tiling_on_sc=False)


@functools.partial(
    pl.kernel,
    out_type=jax.ShapeDtypeStruct((2, NC, NACC, HQ), jnp.float32),
    mesh=_MESH,
    scratch_types=[
        pltpu.VMEM((LAY_WPS, W), jnp.int32),
        pltpu.VMEM((LAY_WPS, W), jnp.int32),
        pltpu.VMEM((NBUF, W, HQ), jnp.float32),
        pltpu.VMEM_SHARED((NACC, HQ), jnp.float32),
        pltpu.SemaphoreType.DMA,
        pltpu.SemaphoreType.DMA,
    ],
    compiler_params=_SC_PARAMS,
)
def _sc_pass(y_hbm, row_hbm, col_hbm, a_hbm, rowv, colv, gbuf, acc,
             sem0, sem1):
    c = lax.axis_index("c")
    s = lax.axis_index("s")
    sems = [sem0, sem1]
    pltpu.sync_copy(row_hbm.at[c].at[s], rowv)
    r0 = s * NR
    zrow = jnp.zeros((HQ,), jnp.float32)

    for h in range(2):
        pltpu.sync_copy(col_hbm.at[h].at[s], colv)

        @pl.loop(0, W)
        def _(r):
            gbuf[0, r, :] = zrow

        @pl.loop(0, NR // W)
        def _(k):
            pltpu.sync_copy(gbuf.at[0], acc.at[pl.ds(r0 + k * W, W)])

        if NR % W:
            pltpu.sync_copy(gbuf.at[0].at[pl.ds(0, NR % W)],
                            acc.at[pl.ds(r0 + (NR // W) * W, NR % W)])
        plsc.subcore_barrier()

        for b in range(NBUF):
            pltpu.async_copy(y_hbm.at[rowv.at[b]], gbuf.at[b], sems[b])

        @pl.loop(0, LAY_WPS - NBUF, step=NBUF)
        def _(g):
            for b in range(NBUF):
                pltpu.make_async_copy(
                    y_hbm.at[rowv.at[g + b]], gbuf.at[b], sems[b]).wait()
                pltpu.sync_copy(gbuf.at[b], acc.at[colv.at[g + b]], add=True)
                pltpu.async_copy(
                    y_hbm.at[rowv.at[g + b + NBUF]], gbuf.at[b], sems[b])

        for b in range(NBUF):
            g = LAY_WPS - NBUF + b
            pltpu.make_async_copy(
                y_hbm.at[rowv.at[g]], gbuf.at[b], sems[b]).wait()
            pltpu.sync_copy(gbuf.at[b], acc.at[colv.at[g]], add=True)

        plsc.subcore_barrier()
        pltpu.sync_copy(acc.at[pl.ds(r0, NR)],
                        a_hbm.at[h].at[c].at[pl.ds(r0, NR)])


def _dis_body(d_ref, out_ref):
    deg = d_ref[...]
    out_ref[...] = jnp.where(deg > 0.0, lax.rsqrt(deg), 0.0)


def _tc_dis(d):
    return pl.pallas_call(
        _dis_body,
        grid=(NBLK,),
        in_specs=[pl.BlockSpec((BR, 128), lambda i: (i, 0))],
        out_specs=pl.BlockSpec((BR, 128), lambda i: (i, 0)),
        out_shape=jax.ShapeDtypeStruct((FR, 128), jnp.float32),
    )(d.reshape(FR, 128))


def _step_body(scale_a, with_s, a01_ref, a23_ref, dis_ref, *refs):
    if with_s:
        s_ref = refs[0]
        out_refs = refs[1:]
    else:
        out_refs = refs
    dis = dis_ref[...][None]
    a = jnp.concatenate([a01_ref[...], a23_ref[...]], axis=0)
    x = a * dis if scale_a else a
    out_refs[0][...] = s_ref[...] + x if with_s else x
    out_refs[1][...] = x * dis


def _tc_step(a01, a23, dis, s=None, *, scale_a=True):
    with_s = s is not None
    a01 = a01.reshape(NC, FR, 128)
    a23 = a23.reshape(NC, FR, 128)
    half = pl.BlockSpec((2, BR, 128), lambda i: (0, i, 0))
    full = pl.BlockSpec((NQ, BR, 128), lambda i: (0, i, 0))
    dspec = pl.BlockSpec((BR, 128), lambda i: (i, 0))
    in_specs = [half, half, dspec] + ([full] if with_s else [])
    shp = jax.ShapeDtypeStruct((NQ, FR, 128), jnp.float32)
    args = (a01, a23, dis, s) if with_s else (a01, a23, dis)
    return pl.pallas_call(
        functools.partial(_step_body, scale_a, with_s),
        grid=(NBLK,),
        in_specs=in_specs,
        out_specs=[full, full],
        out_shape=[shp, shp],
    )(*args)


@jax.jit
def _impl(edge_index, user_weight, product_weight):
    i32 = jnp.int32
    row = edge_index[0].astype(i32)
    col = edge_index[1].astype(i32)
    pad = jnp.full((E_PAD - E,), PAD_IDX, i32)
    rowp = jnp.concatenate([row, pad])
    colp = jnp.concatenate([col, pad])
    rows2 = jnp.stack([
        (rowp[None, :] + jnp.array([[2 * q], [2 * q + 1]], i32) * N_PAD)
        .reshape(NC, NS, LAY_WPS, W)
        for q in range(2)
    ] + [
        jnp.broadcast_to(
            (jnp.arange(E_PAD, dtype=i32) % 4096)
            .reshape(1, NS, LAY_WPS, W), (NC, NS, LAY_WPS, W)),
    ])
    spread = TRASH + (jnp.arange(E_PAD, dtype=i32) % NTRASH)
    col2 = jnp.stack([
        jnp.where((colp >= h * NH) & (colp < (h + 1) * NH),
                  colp - h * NH, spread).reshape(NS, LAY_WPS, W)
        for h in range(2)
    ])

    xall = jnp.concatenate([user_weight, product_weight], axis=0)
    xall = jnp.concatenate(
        [xall, jnp.zeros((N_PAD - N, D), jnp.float32)], axis=0)
    x01 = jnp.stack([xall[:, 0:16], xall[:, 16:32]])
    x23 = jnp.stack([xall[:, 32:48], xall[:, 48:64]])
    x4 = jnp.concatenate([x01, x23], axis=0)

    def body(carry, i):
        y, ssum, dis, a01k = carry
        q = jnp.where(i == 0, 2, jnp.abs(i - 1) % 2)
        rows = lax.dynamic_index_in_dim(rows2, q, 0, keepdims=False)
        a = _sc_pass(y, rows, col2)
        afull = jnp.concatenate([a[0, :, :NH], a[1, :, :NH]], axis=1)

        def deg_branch():
            d = _tc_dis(afull[0])
            _, y0 = _tc_step(x01, x23, d, scale_a=False)
            return y0.reshape(NQ * N_PAD, HQ), ssum, d, a01k

        def keep_branch():
            return y, ssum, dis, afull

        def step_branch():
            s2, y2 = _tc_step(a01k, afull, dis, ssum)
            return y2.reshape(NQ * N_PAD, HQ), s2, dis, a01k

        bidx = jnp.where(i == 0, 0, jnp.where(i % 2 == 1, 1, 2))
        carry = lax.switch(bidx, [deg_branch, keep_branch, step_branch])
        return carry, None

    init = (
        jnp.ones((NQ * N_PAD, HQ), jnp.float32),
        x4.reshape(NQ, FR, 128),
        jnp.zeros((FR, 128), jnp.float32),
        jnp.zeros((NC, N_PAD, HQ), jnp.float32),
    )
    nsteps = 1 + 2 * NUM_LAYERS
    (_, ssum, _, _), _ = lax.scan(
        body, init, jnp.arange(nsteps, dtype=i32))

    final = ssum.reshape(NQ, N_PAD, HQ) * (1.0 / (NUM_LAYERS + 1))
    user_out = jnp.concatenate(
        [final[qq, :NUM_USERS] for qq in range(NQ)], axis=1)
    product_out = jnp.concatenate(
        [final[qq, NUM_USERS:N] for qq in range(NQ)], axis=1)
    return user_out, product_out


def kernel(edge_index, user_weight, product_weight):
    return _impl(edge_index, user_weight, product_weight)

# --- scband reference (transcript-rebuilt; emitter-appended) ---
"""Pipeline reference for scband-heterogeneous-light-gcn-5927054868559 (READ-ONLY COPY).

The authoritative reference and input builder live on the scoring server;
editing this copy changes nothing except your own understanding.
"""

import jax, jax.numpy as jnp
import numpy as np

NUM_USERS = 20000
NUM_PRODUCTS = 30000
EMBED_DIM = 64
NUM_LAYERS = 3
NUM_EDGES = 800000
N = NUM_USERS + NUM_PRODUCTS


def setup_inputs(seed: int = 0) -> dict:
    key = jax.random.key(seed)
    k1, k2, k3 = jax.random.split(key, 3)
    edge_index = jax.random.randint(k1, (2, NUM_EDGES), 0, N, dtype=jnp.int64 if jax.config.jax_enable_x64 else jnp.int32).astype(jnp.int32)
    # xavier_uniform init: bound = sqrt(6/(fan_in+fan_out))
    bu = float(np.sqrt(6.0 / (NUM_USERS + EMBED_DIM)))
    bp = float(np.sqrt(6.0 / (NUM_PRODUCTS + EMBED_DIM)))
    user_weight = jax.random.uniform(k2, (NUM_USERS, EMBED_DIM), minval=-bu, maxval=bu, dtype=jnp.float32)
    product_weight = jax.random.uniform(k3, (NUM_PRODUCTS, EMBED_DIM), minval=-bp, maxval=bp, dtype=jnp.float32)
    return {"edge_index": edge_index, "user_weight": user_weight, "product_weight": product_weight}


def _lightgcn_conv(x, edge_index):
    row = edge_index[0]
    col = edge_index[1]
    n = x.shape[0]
    deg = jnp.bincount(col, length=n).astype(x.dtype)
    deg_inv_sqrt = jnp.where(deg > 0, deg ** -0.5, 0.0)
    norm = deg_inv_sqrt[row] * deg_inv_sqrt[col]
    msg = norm[:, None] * x[row]  # message: norm * x_j (source features)
    out = jnp.zeros_like(x).at[col].add(msg)  # aggregate 'add' at target nodes
    return out


def reference(edge_index, user_weight, product_weight):
    all_emb = jnp.concatenate([user_weight, product_weight], axis=0)
    embs = [all_emb]
    for _ in range(NUM_LAYERS):
        all_emb = _lightgcn_conv(all_emb, edge_index)
        embs.append(all_emb)
    final_emb = jnp.stack(embs, axis=0).mean(axis=0)
    user_out = final_emb[:NUM_USERS]
    product_out = final_emb[NUM_USERS:]
    return (user_out, product_out)

if __name__ == "__main__":
    import jax
    _d = setup_inputs()
    print(jax.jit(kernel)(*tuple(_d.values())))

</pallas_src>

<mosaic_0001>
#map = affine_map<(d0, d1) -> (0, 0)>
#map1 = affine_map<(d0, d1) -> (0, 0, 0, 0)>
module attributes {stable_mosaic.version = 14 : i64} {
  func.func @_sc_pass(%arg0: i32, %arg1: i32, %arg2: memref<200192x16xf32, #tpu.memory_space<hbm>>, %arg3: memref<2x16x392x128xi32, #tpu.memory_space<hbm>>, %arg4: memref<2x16x392x128xi32, #tpu.memory_space<hbm>>, %arg5: memref<2x2x25088x16xf32, #tpu.memory_space<hbm>>, %arg6: memref<392x128xi32, #tpu.memory_space<vmem>>, %arg7: memref<392x128xi32, #tpu.memory_space<vmem>>, %arg8: memref<2x128x16xf32, #tpu.memory_space<vmem>>, %arg9: memref<25088x16xf32, #tpu.memory_space<vmem_shared>>, %arg10: memref<!tpu.dma_semaphore, #tpu.memory_space<semaphore_mem>>, %arg11: memref<!tpu.dma_semaphore, #tpu.memory_space<semaphore_mem>>) attributes {dimension_semantics = [#tpu.dimension_semantics<core_parallel>, #tpu.dimension_semantics<subcore_parallel>], iteration_bounds = array<i64: 2, 16>, scalar_prefetch = 0 : i64, scratch_operands = 6 : i64, tpu.core_type = #tpu.core_type<sc_vector_subcore>, window_params = [{transform_indices = #map}, {transform_indices = #map1}, {transform_indices = #map1}, {transform_indices = #map1}]} {
    "tpu.region"() ({
      %run_scoped3A_144 = tpu.sem_alloc : memref<!tpu.dma_semaphore, #tpu.memory_space<semaphore_mem>>
      %dma_start3A_145 = arith.constant 0 : i32
      %dma_start3A_146 = arith.constant 0 : i32
      %dma_start3A_147 = arith.constant 0 : i32
      %dma_start3A_148 = tpu.memref_slice %arg3[%arg0, %dma_start3A_145, %dma_start3A_146, %dma_start3A_147] : memref<2x16x392x128xi32, #tpu.memory_space<hbm>> -> memref<1x16x392x128xi32, #tpu.memory_space<hbm>>
      %dma_start3A_149 = tpu.memref_squeeze %dma_start3A_148 : memref<1x16x392x128xi32, #tpu.memory_space<hbm>> -> memref<16x392x128xi32, #tpu.memory_space<hbm>>
      %dma_start3A_150 = arith.constant 0 : i32
      %dma_start3A_151 = arith.constant 0 : i32
      %dma_start3A_152 = tpu.memref_slice %dma_start3A_149[%arg1, %dma_start3A_150, %dma_start3A_151] : memref<16x392x128xi32, #tpu.memory_space<hbm>> -> memref<1x392x128xi32, #tpu.memory_space<hbm>>
      %dma_start3A_153 = tpu.memref_squeeze %dma_start3A_152 : memref<1x392x128xi32, #tpu.memory_space<hbm>> -> memref<392x128xi32, #tpu.memory_space<hbm>>
      %dma_start3A_154 = arith.constant 0 : i32
      %dma_start3A_155 = arith.constant 0 : i32
      %dma_start3A_156 = arith.constant 0 : i32
      %dma_start3A_157 = tpu.memref_slice %arg3[%arg0, %dma_start3A_154, %dma_start3A_155, %dma_start3A_156] : memref<2x16x392x128xi32, #tpu.memory_space<hbm>> -> memref<1x16x392x128xi32, #tpu.memory_space<hbm>>
      %dma_start3A_158 = tpu.memref_squeeze %dma_start3A_157 : memref<1x16x392x128xi32, #tpu.memory_space<hbm>> -> memref<16x392x128xi32, #tpu.memory_space<hbm>>
      %dma_start3A_159 = arith.constant 0 : i32
      %dma_start3A_160 = arith.constant 0 : i32
      %dma_start3A_161 = tpu.memref_slice %dma_start3A_158[%arg1, %dma_start3A_159, %dma_start3A_160] : memref<16x392x128xi32, #tpu.memory_space<hbm>> -> memref<1x392x128xi32, #tpu.memory_space<hbm>>
      %dma_start3A_162 = tpu.memref_squeeze %dma_start3A_161 : memref<1x392x128xi32, #tpu.memory_space<hbm>> -> memref<392x128xi32, #tpu.memory_space<hbm>>
      tpu.enqueue_dma source(%dma_start3A_162 : memref<392x128xi32, #tpu.memory_space<hbm>>) target(%arg6 : memref<392x128xi32, #tpu.memory_space<vmem>>) target_semaphore(%run_scoped3A_144 : memref<!tpu.dma_semaphore, #tpu.memory_space<semaphore_mem>>)
      %dma_wait3A_163 = arith.constant 0 : i32
      %dma_wait3A_164 = arith.constant 0 : i32
      %dma_wait3A_165 = arith.constant 0 : i32
      %dma_wait3A_166 = tpu.memref_slice %arg3[%arg0, %dma_wait3A_163, %dma_wait3A_164, %dma_wait3A_165] : memref<2x16x392x128xi32, #tpu.memory_space<hbm>> -> memref<1x16x392x128xi32, #tpu.memory_space<hbm>>
      %dma_wait3A_167 = tpu.memref_squeeze %dma_wait3A_166 : memref<1x16x392x128xi32, #tpu.memory_space<hbm>> -> memref<16x392x128xi32, #tpu.memory_space<hbm>>
      %dma_wait3A_168 = arith.constant 0 : i32
      %dma_wait3A_169 = arith.constant 0 : i32
      %dma_wait3A_170 = tpu.memref_slice %dma_wait3A_167[%arg1, %dma_wait3A_168, %dma_wait3A_169] : memref<16x392x128xi32, #tpu.memory_space<hbm>> -> memref<1x392x128xi32, #tpu.memory_space<hbm>>
      %dma_wait3A_171 = tpu.memref_squeeze %dma_wait3A_170 : memref<1x392x128xi32, #tpu.memory_space<hbm>> -> memref<392x128xi32, #tpu.memory_space<hbm>>
      %dma_wait3A_172 = arith.constant 0 : i32
      %dma_wait3A_173 = arith.constant 0 : i32
      %dma_wait3A_174 = arith.constant 0 : i32
      %dma_wait3A_175 = tpu.memref_slice %arg3[%arg0, %dma_wait3A_172, %dma_wait3A_173, %dma_wait3A_174] : memref<2x16x392x128xi32, #tpu.memory_space<hbm>> -> memref<1x16x392x128xi32, #tpu.memory_space<hbm>>
      %dma_wait3A_176 = tpu.memref_squeeze %dma_wait3A_175 : memref<1x16x392x128xi32, #tpu.memory_space<hbm>> -> memref<16x392x128xi32, #tpu.memory_space<hbm>>
      %dma_wait3A_177 = arith.constant 0 : i32
      %dma_wait3A_178 = arith.constant 0 : i32
      %dma_wait3A_179 = tpu.memref_slice %dma_wait3A_176[%arg1, %dma_wait3A_177, %dma_wait3A_178] : memref<16x392x128xi32, #tpu.memory_space<hbm>> -> memref<1x392x128xi32, #tpu.memory_space<hbm>>
      %dma_wait3A_180 = tpu.memref_squeeze %dma_wait3A_179 : memref<1x392x128xi32, #tpu.memory_space<hbm>> -> memref<392x128xi32, #tpu.memory_space<hbm>>
      tpu.wait_dma2 semaphore(%run_scoped3A_144 : memref<!tpu.dma_semaphore, #tpu.memory_space<semaphore_mem>>) src(%dma_wait3A_180 : memref<392x128xi32, #tpu.memory_space<hbm>>) dst(%arg6 : memref<392x128xi32, #tpu.memory_space<vmem>>)
      tpu.yield
    }) : () -> ()
    %mul3A = arith.constant 1568 : i32
    %mul3A_0 = arith.muli %arg1, %mul3A : i32
    %broadcast_in_dim3A = arith.constant 0.000000e+00 : f32
    %broadcast_in_dim3A_1 = vector.broadcast %broadcast_in_dim3A : f32 to vector<16xf32>
    %run_scoped3A = arith.constant 0 : i32
    "tpu.region"() ({
      %run_scoped3A_144 = tpu.sem_alloc : memref<!tpu.dma_semaphore, #tpu.memory_space<semaphore_mem>>
      %dma_start3A_145 = arith.constant 0 : i32
      %dma_start3A_146 = arith.constant 0 : i32
      %dma_start3A_147 = arith.constant 0 : i32
      %dma_start3A_148 = tpu.memref_slice %arg4[%run_scoped3A, %dma_start3A_145, %dma_start3A_146, %dma_start3A_147] : memref<2x16x392x128xi32, #tpu.memory_space<hbm>> -> memref<1x16x392x128xi32, #tpu.memory_space<hbm>>
      %dma_start3A_149 = tpu.memref_squeeze %dma_start3A_148 : memref<1x16x392x128xi32, #tpu.memory_space<hbm>> -> memref<16x392x128xi32, #tpu.memory_space<hbm>>
      %dma_start3A_150 = arith.constant 0 : i32
      %dma_start3A_151 = arith.constant 0 : i32
      %dma_start3A_152 = tpu.memref_slice %dma_start3A_149[%arg1, %dma_start3A_150, %dma_start3A_151] : memref<16x392x128xi32, #tpu.memory_space<hbm>> -> memref<1x392x128xi32, #tpu.memory_space<hbm>>
      %dma_start3A_153 = tpu.memref_squeeze %dma_start3A_152 : memref<1x392x128xi32, #tpu.memory_space<hbm>> -> memref<392x128xi32, #tpu.memory_space<hbm>>
      %dma_start3A_154 = arith.constant 0 : i32
      %dma_start3A_155 = arith.constant 0 : i32
      %dma_start3A_156 = arith.constant 0 : i32
      %dma_start3A_157 = tpu.memref_slice %arg4[%run_scoped3A, %dma_start3A_154, %dma_start3A_155, %dma_start3A_156] : memref<2x16x392x128xi32, #tpu.memory_space<hbm>> -> memref<1x16x392x128xi32, #tpu.memory_space<hbm>>
      %dma_start3A_158 = tpu.memref_squeeze %dma_start3A_157 : memref<1x16x392x128xi32, #tpu.memory_space<hbm>> -> memref<16x392x128xi32, #tpu.memory_space<hbm>>
      %dma_start3A_159 = arith.constant 0 : i32
      %dma_start3A_160 = arith.constant 0 : i32
      %dma_start3A_161 = tpu.memref_slice %dma_start3A_158[%arg1, %dma_start3A_159, %dma_start3A_160] : memref<16x392x128xi32, #tpu.memory_space<hbm>> -> memref<1x392x128xi32, #tpu.memory_space<hbm>>
      %dma_start3A_162 = tpu.memref_squeeze %dma_start3A_161 : memref<1x392x128xi32, #tpu.memory_space<hbm>> -> memref<392x128xi32, #tpu.memory_space<hbm>>
      tpu.enqueue_dma source(%dma_start3A_162 : memref<392x128xi32, #tpu.memory_space<hbm>>) target(%arg7 : memref<392x128xi32, #tpu.memory_space<vmem>>) target_semaphore(%run_scoped3A_144 : memref<!tpu.dma_semaphore, #tpu.memory_space<semaphore_mem>>)
      %dma_wait3A_163 = arith.constant 0 : i32
      %dma_wait3A_164 = arith.constant 0 : i32
      %dma_wait3A_165 = arith.constant 0 : i32
      %dma_wait3A_166 = tpu.memref_slice %arg4[%run_scoped3A, %dma_wait3A_163, %dma_wait3A_164, %dma_wait3A_165] : memref<2x16x392x128xi32, #tpu.memory_space<hbm>> -> memref<1x16x392x128xi32, #tpu.memory_space<hbm>>
      %dma_wait3A_167 = tpu.memref_squeeze %dma_wait3A_166 : memref<1x16x392x128xi32, #tpu.memory_space<hbm>> -> memref<16x392x128xi32, #tpu.memory_space<hbm>>
      %dma_wait3A_168 = arith.constant 0 : i32
      %dma_wait3A_169 = arith.constant 0 : i32
      %dma_wait3A_170 = tpu.memref_slice %dma_wait3A_167[%arg1, %dma_wait3A_168, %dma_wait3A_169] : memref<16x392x128xi32, #tpu.memory_space<hbm>> -> memref<1x392x128xi32, #tpu.memory_space<hbm>>
      %dma_wait3A_171 = tpu.memref_squeeze %dma_wait3A_170 : memref<1x392x128xi32, #tpu.memory_space<hbm>> -> memref<392x128xi32, #tpu.memory_space<hbm>>
      %dma_wait3A_172 = arith.constant 0 : i32
      %dma_wait3A_173 = arith.constant 0 : i32
      %dma_wait3A_174 = arith.constant 0 : i32
      %dma_wait3A_175 = tpu.memref_slice %arg4[%run_scoped3A, %dma_wait3A_172, %dma_wait3A_173, %dma_wait3A_174] : memref<2x16x392x128xi32, #tpu.memory_space<hbm>> -> memref<1x16x392x128xi32, #tpu.memory_space<hbm>>
      %dma_wait3A_176 = tpu.memref_squeeze %dma_wait3A_175 : memref<1x16x392x128xi32, #tpu.memory_space<hbm>> -> memref<16x392x128xi32, #tpu.memory_space<hbm>>
      %dma_wait3A_177 = arith.constant 0 : i32
      %dma_wait3A_178 = arith.constant 0 : i32
      %dma_wait3A_179 = tpu.memref_slice %dma_wait3A_176[%arg1, %dma_wait3A_177, %dma_wait3A_178] : memref<16x392x128xi32, #tpu.memory_space<hbm>> -> memref<1x392x128xi32, #tpu.memory_space<hbm>>
      %dma_wait3A_180 = tpu.memref_squeeze %dma_wait3A_179 : memref<1x392x128xi32, #tpu.memory_space<hbm>> -> memref<392x128xi32, #tpu.memory_space<hbm>>
      tpu.wait_dma2 semaphore(%run_scoped3A_144 : memref<!tpu.dma_semaphore, #tpu.memory_space<semaphore_mem>>) src(%dma_wait3A_180 : memref<392x128xi32, #tpu.memory_space<hbm>>) dst(%arg7 : memref<392x128xi32, #tpu.memory_space<vmem>>)
      tpu.yield
    }) : () -> ()
    %scan3A = arith.constant 0 : i32
    %scan3A_2 = arith.constant 128 : i32
    %scan3A_3 = arith.addi %scan3A, %scan3A_2 : i32
    %scan3A_4 = arith.constant 1 : i32
    scf.for %scan3A_144 = %scan3A to %scan3A_3 step %scan3A_4  : i32 {
      %mul3A_145 = arith.constant 1 : i32
      %mul3A_146 = arith.muli %scan3A_144, %mul3A_145 : i32
      %add3A_147 = arith.constant 0 : i32
      %add3A_148 = arith.addi %add3A_147, %mul3A_146 : i32
      %swap3A = arith.constant 0 : i32
      %swap3A_149 = arith.index_cast %swap3A : i32 to index
      %swap3A_150 = arith.index_cast %add3A_148 : i32 to index
      %swap3A_151 = arith.constant 0 : index
      %swap3A_152 = tpu.vector_load %arg8[%swap3A_149, %swap3A_150, %swap3A_151] {strides = array<i32>} : memref<2x128x16xf32, #tpu.memory_space<vmem>>, vector<1x1x16xf32>,
      %swap3A_153 = vector.shape_cast %swap3A_152 : vector<1x1x16xf32> to vector<16xf32>
      %swap3A_154 = vector.shape_cast %broadcast_in_dim3A_1 : vector<16xf32> to vector<1x1x16xf32>
      tpu.vector_store %arg8[%swap3A_149, %swap3A_150, %swap3A_151], %swap3A_154 {strides = array<i32>} : memref<2x128x16xf32, #tpu.memory_space<vmem>>, vector<1x1x16xf32>,
    }
    %scan3A_5 = arith.constant 128 : i32
    %scan3A_6 = arith.constant 0 : i32
    %scan3A_7 = arith.constant 12 : i32
    %scan3A_8 = arith.addi %scan3A_6, %scan3A_7 : i32
    %scan3A_9 = arith.constant 1 : i32
    scf.for %scan3A_144 = %scan3A_6 to %scan3A_8 step %scan3A_9  : i32 {
      %mul3A_145 = arith.constant 1 : i32
      %mul3A_146 = arith.muli %scan3A_144, %mul3A_145 : i32
      %add3A_147 = arith.constant 0 : i32
      %add3A_148 = arith.addi %add3A_147, %mul3A_146 : i32
      %mul3A_149 = arith.constant 128 : i32
      %mul3A_150 = arith.muli %add3A_148, %mul3A_149 : i32
      %add3A_151 = arith.addi %mul3A_0, %mul3A_150 : i32
      %run_scoped3A_152 = arith.constant 0 : i32
      "tpu.region"() ({
        %run_scoped3A_153 = tpu.sem_alloc : memref<!tpu.dma_semaphore, #tpu.memory_space<semaphore_mem>>
        %dma_start3A_154 = arith.constant 0 : i32
        %dma_start3A_155 = arith.constant 0 : i32
        %dma_start3A_156 = tpu.memref_slice %arg8[%run_scoped3A_152, %dma_start3A_154, %dma_start3A_155] : memref<2x128x16xf32, #tpu.memory_space<vmem>> -> memref<1x128x16xf32, #tpu.memory_space<vmem>>
        %dma_start3A_157 = tpu.memref_squeeze %dma_start3A_156 : memref<1x128x16xf32, #tpu.memory_space<vmem>> -> memref<128x16xf32, #tpu.memory_space<vmem>>
        %dma_start3A_158 = arith.constant 0 : i32
        %dma_start3A_159 = tpu.memref_slice %arg9[%add3A_151, %dma_start3A_158] : memref<25088x16xf32, #tpu.memory_space<vmem_shared>> -> memref<128x16xf32, #tpu.memory_space<vmem_shared>>
        %dma_start3A_160 = arith.constant 0 : i32
        %dma_start3A_161 = tpu.memref_slice %arg9[%add3A_151, %dma_start3A_160] : memref<25088x16xf32, #tpu.memory_space<vmem_shared>> -> memref<128x16xf32, #tpu.memory_space<vmem_shared>>
        %dma_start3A_162 = arith.constant 0 : i32
        %dma_start3A_163 = arith.constant 0 : i32
        %dma_start3A_164 = tpu.memref_slice %arg8[%run_scoped3A_152, %dma_start3A_162, %dma_start3A_163] : memref<2x128x16xf32, #tpu.memory_space<vmem>> -> memref<1x128x16xf32, #tpu.memory_space<vmem>>
        %dma_start3A_165 = tpu.memref_squeeze %dma_start3A_164 : memref<1x128x16xf32, #tpu.memory_space<vmem>> -> memref<128x16xf32, #tpu.memory_space<vmem>>
        tpu.enqueue_dma source(%dma_start3A_165 : memref<128x16xf32, #tpu.memory_space<vmem>>) target(%dma_start3A_161 : memref<128x16xf32, #tpu.memory_space<vmem_shared>>) target_semaphore(%run_scoped3A_153 : memref<!tpu.dma_semaphore, #tpu.memory_space<semaphore_mem>>)
        %dma_wait3A_166 = arith.constant 0 : i32
        %dma_wait3A_167 = arith.constant 0 : i32
        %dma_wait3A_168 = tpu.memref_slice %arg8[%run_scoped3A_152, %dma_wait3A_166, %dma_wait3A_167] : memref<2x128x16xf32, #tpu.memory_space<vmem>> -> memref<1x128x16xf32, #tpu.memory_space<vmem>>
        %dma_wait3A_169 = tpu.memref_squeeze %dma_wait3A_168 : memref<1x128x16xf32, #tpu.memory_space<vmem>> -> memref<128x16xf32, #tpu.memory_space<vmem>>
        %dma_wait3A_170 = arith.constant 0 : i32
        %dma_wait3A_171 = tpu.memref_slice %arg9[%add3A_151, %dma_wait3A_170] : memref<25088x16xf32, #tpu.memory_space<vmem_shared>> -> memref<128x16xf32, #tpu.memory_space<vmem_shared>>
        %dma_wait3A_172 = arith.constant 0 : i32
        %dma_wait3A_173 = tpu.memref_slice %arg9[%add3A_151, %dma_wait3A_172] : memref<25088x16xf32, #tpu.memory_space<vmem_shared>> -> memref<128x16xf32, #tpu.memory_space<vmem_shared>>
        %dma_wait3A_174 = arith.constant 0 : i32
        %dma_wait3A_175 = arith.constant 0 : i32
        %dma_wait3A_176 = tpu.memref_slice %arg8[%run_scoped3A_152, %dma_wait3A_174, %dma_wait3A_175] : memref<2x128x16xf32, #tpu.memory_space<vmem>> -> memref<1x128x16xf32, #tpu.memory_space<vmem>>
        %dma_wait3A_177 = tpu.memref_squeeze %dma_wait3A_176 : memref<1x128x16xf32, #tpu.memory_space<vmem>> -> memref<128x16xf32, #tpu.memory_space<vmem>>
        tpu.wait_dma2 semaphore(%run_scoped3A_153 : memref<!tpu.dma_semaphore, #tpu.memory_space<semaphore_mem>>) src(%dma_wait3A_177 : memref<128x16xf32, #tpu.memory_space<vmem>>) dst(%dma_wait3A_173 : memref<128x16xf32, #tpu.memory_space<vmem_shared>>)
        tpu.yield
      }) : () -> ()
    }
    %scan3A_10 = arith.constant 12 : i32
    %add3A = arith.constant 1536 : i32
    %add3A_11 = arith.addi %mul3A_0, %add3A : i32
    %run_scoped3A_12 = arith.constant 0 : i32
    "tpu.region"() ({
      %run_scoped3A_144 = tpu.sem_alloc : memref<!tpu.dma_semaphore, #tpu.memory_space<semaphore_mem>>
      %dma_start3A_145 = arith.constant 0 : i32
      %dma_start3A_146 = arith.constant 0 : i32
      %dma_start3A_147 = tpu.memref_slice %arg8[%run_scoped3A_12, %dma_start3A_145, %dma_start3A_146] : memref<2x128x16xf32, #tpu.memory_space<vmem>> -> memref<1x128x16xf32, #tpu.memory_space<vmem>>
      %dma_start3A_148 = tpu.memref_squeeze %dma_start3A_147 : memref<1x128x16xf32, #tpu.memory_space<vmem>> -> memref<128x16xf32, #tpu.memory_space<vmem>>
      %dma_start3A_149 = arith.constant 0 : i32
      %dma_start3A_150 = arith.constant 0 : i32
      %dma_start3A_151 = tpu.memref_slice %dma_start3A_148[%dma_start3A_149, %dma_start3A_150] : memref<128x16xf32, #tpu.memory_space<vmem>> -> memref<32x16xf32, #tpu.memory_space<vmem>>
      %dma_start3A_152 = arith.constant 0 : i32
      %dma_start3A_153 = tpu.memref_slice %arg9[%add3A_11, %dma_start3A_152] : memref<25088x16xf32, #tpu.memory_space<vmem_shared>> -> memref<32x16xf32, #tpu.memory_space<vmem_shared>>
      %dma_start3A_154 = arith.constant 0 : i32
      %dma_start3A_155 = tpu.memref_slice %arg9[%add3A_11, %dma_start3A_154] : memref<25088x16xf32, #tpu.memory_space<vmem_shared>> -> memref<32x16xf32, #tpu.memory_space<vmem_shared>>
      %dma_start3A_156 = arith.constant 0 : i32
      %dma_start3A_157 = arith.constant 0 : i32
      %dma_start3A_158 = tpu.memref_slice %arg8[%run_scoped3A_12, %dma_start3A_156, %dma_start3A_157] : memref<2x128x16xf32, #tpu.memory_space<vmem>> -> memref<1x128x16xf32, #tpu.memory_space<vmem>>
      %dma_start3A_159 = tpu.memref_squeeze %dma_start3A_158 : memref<1x128x16xf32, #tpu.memory_space<vmem>> -> memref<128x16xf32, #tpu.memory_space<vmem>>
      %dma_start3A_160 = arith.constant 0 : i32
      %dma_start3A_161 = arith.constant 0 : i32
      %dma_start3A_162 = tpu.memref_slice %dma_start3A_159[%dma_start3A_160, %dma_start3A_161] : memref<128x16xf32, #tpu.memory_space<vmem>> -> memref<32x16xf32, #tpu.memory_space<vmem>>
      tpu.enqueue_dma source(%dma_start3A_162 : memref<32x16xf32, #tpu.memory_space<vmem>>) target(%dma_start3A_155 : memref<32x16xf32, #tpu.memory_space<vmem_shared>>) target_semaphore(%run_scoped3A_144 : memref<!tpu.dma_semaphore, #tpu.memory_space<semaphore_mem>>)
      %dma_wait3A_163 = arith.constant 0 : i32
      %dma_wait3A_164 = arith.constant 0 : i32
      %dma_wait3A_165 = tpu.memref_slice %arg8[%run_scoped3A_12, %dma_wait3A_163, %dma_wait3A_164] : memref<2x128x16xf32, #tpu.memory_space<vmem>> -> memref<1x128x16xf32, #tpu.memory_space<vmem>>
      %dma_wait3A_166 = tpu.memref_squeeze %dma_wait3A_165 : memref<1x128x16xf32, #tpu.memory_space<vmem>> -> memref<128x16xf32, #tpu.memory_space<vmem>>
      %dma_wait3A_167 = arith.constant 0 : i32
      %dma_wait3A_168 = arith.constant 0 : i32
      %dma_wait3A_169 = tpu.memref_slice %dma_wait3A_166[%dma_wait3A_167, %dma_wait3A_168] : memref<128x16xf32, #tpu.memory_space<vmem>> -> memref<32x16xf32, #tpu.memory_space<vmem>>
      %dma_wait3A_170 = arith.constant 0 : i32
      %dma_wait3A_171 = tpu.memref_slice %arg9[%add3A_11, %dma_wait3A_170] : memref<25088x16xf32, #tpu.memory_space<vmem_shared>> -> memref<32x16xf32, #tpu.memory_space<vmem_shared>>
      %dma_wait3A_172 = arith.constant 0 : i32
      %dma_wait3A_173 = tpu.memref_slice %arg9[%add3A_11, %dma_wait3A_172] : memref<25088x16xf32, #tpu.memory_space<vmem_shared>> -> memref<32x16xf32, #tpu.memory_space<vmem_shared>>
      %dma_wait3A_174 = arith.constant 0 : i32
      %dma_wait3A_175 = arith.constant 0 : i32
      %dma_wait3A_176 = tpu.memref_slice %arg8[%run_scoped3A_12, %dma_wait3A_174, %dma_wait3A_175] : memref<2x128x16xf32, #tpu.memory_space<vmem>> -> memref<1x128x16xf32, #tpu.memory_space<vmem>>
      %dma_wait3A_177 = tpu.memref_squeeze %dma_wait3A_176 : memref<1x128x16xf32, #tpu.memory_space<vmem>> -> memref<128x16xf32, #tpu.memory_space<vmem>>
      %dma_wait3A_178 = arith.constant 0 : i32
      %dma_wait3A_179 = arith.constant 0 : i32
      %dma_wait3A_180 = tpu.memref_slice %dma_wait3A_177[%dma_wait3A_178, %dma_wait3A_179] : memref<128x16xf32, #tpu.memory_space<vmem>> -> memref<32x16xf32, #tpu.memory_space<vmem>>
      tpu.wait_dma2 semaphore(%run_scoped3A_144 : memref<!tpu.dma_semaphore, #tpu.memory_space<semaphore_mem>>) src(%dma_wait3A_180 : memref<32x16xf32, #tpu.memory_space<vmem>>) dst(%dma_wait3A_173 : memref<32x16xf32, #tpu.memory_space<vmem_shared>>)
      tpu.yield
    }) : () -> ()
    %barrier3A = arith.constant 0 : index
    tpu.barrier barrier_id(%barrier3A)
    %dma_start3A = arith.constant 0 : i32
    %dma_start3A_13 = arith.constant 0 : i32
    %dma_start3A_14 = arith.constant 0 : i32
    %dma_start3A_15 = arith.constant 0 : i32
    %dma_start3A_16 = tpu.memref_slice %arg8[%dma_start3A_13, %dma_start3A_14, %dma_start3A_15] : memref<2x128x16xf32, #tpu.memory_space<vmem>> -> memref<1x128x16xf32, #tpu.memory_space<vmem>>
    %dma_start3A_17 = tpu.memref_squeeze %dma_start3A_16 : memref<1x128x16xf32, #tpu.memory_space<vmem>> -> memref<128x16xf32, #tpu.memory_space<vmem>>
    %dma_start3A_18 = arith.constant 0 : i32
    %dma_start3A_19 = tpu.memref_slice %arg6[%dma_start3A, %dma_start3A_18] : memref<392x128xi32, #tpu.memory_space<vmem>> -> memref<1x128xi32, #tpu.memory_space<vmem>>
    %dma_start3A_20 = tpu.memref_squeeze %dma_start3A_19 : memref<1x128xi32, #tpu.memory_space<vmem>> -> memref<128xi32, #tpu.memory_space<vmem>>
    %dma_start3A_21 = arith.constant 0 : i32
    %dma_start3A_22 = arith.constant 0 : i32
    %dma_start3A_23 = tpu.memref_slice %arg2[%dma_start3A_21, %dma_start3A_22] : memref<200192x16xf32, #tpu.memory_space<hbm>> -> memref<200192x16xf32, #tpu.memory_space<hbm>>
    tpu.enqueue_indirect_dma source(%dma_start3A_23 : memref<200192x16xf32, #tpu.memory_space<hbm>>) target(%dma_start3A_17 : memref<128x16xf32, #tpu.memory_space<vmem>>) offsets(%dma_start3A_20 : memref<128xi32, #tpu.memory_space<vmem>>) semaphore(%arg10 : memref<!tpu.dma_semaphore, #tpu.memory_space<semaphore_mem>>)
    %dma_start3A_24 = arith.constant 1 : i32
    %dma_start3A_25 = arith.constant 1 : i32
    %dma_start3A_26 = arith.constant 0 : i32
    %dma_start3A_27 = arith.constant 0 : i32
    %dma_start3A_28 = tpu.memref_slice %arg8[%dma_start3A_25, %dma_start3A_26, %dma_start3A_27] : memref<2x128x16xf32, #tpu.memory_space<vmem>> -> memref<1x128x16xf32, #tpu.memory_space<vmem>>
    %dma_start3A_29 = tpu.memref_squeeze %dma_start3A_28 : memref<1x128x16xf32, #tpu.memory_space<vmem>> -> memref<128x16xf32, #tpu.memory_space<vmem>>
    %dma_start3A_30 = arith.constant 0 : i32
    %dma_start3A_31 = tpu.memref_slice %arg6[%dma_start3A_24, %dma_start3A_30] : memref<392x128xi32, #tpu.memory_space<vmem>> -> memref<1x128xi32, #tpu.memory_space<vmem>>
    %dma_start3A_32 = tpu.memref_squeeze %dma_start3A_31 : memref<1x128xi32, #tpu.memory_space<vmem>> -> memref<128xi32, #tpu.memory_space<vmem>>
    %dma_start3A_33 = arith.constant 0 : i32
    %dma_start3A_34 = arith.constant 0 : i32
    %dma_start3A_35 = tpu.memref_slice %arg2[%dma_start3A_33, %dma_start3A_34] : memref<200192x16xf32, #tpu.memory_space<hbm>> -> memref<200192x16xf32, #tpu.memory_space<hbm>>
    tpu.enqueue_indirect_dma source(%dma_start3A_35 : memref<200192x16xf32, #tpu.memory_space<hbm>>) target(%dma_start3A_29 : memref<128x16xf32, #tpu.memory_space<vmem>>) offsets(%dma_start3A_32 : memref<128xi32, #tpu.memory_space<vmem>>) semaphore(%arg11 : memref<!tpu.dma_semaphore, #tpu.memory_space<semaphore_mem>>)
    %scan3A_36 = arith.constant 0 : i32
    %scan3A_37 = arith.constant 195 : i32
    %scan3A_38 = arith.addi %scan3A_36, %scan3A_37 : i32
    %scan3A_39 = arith.constant 1 : i32
    scf.for %scan3A_144 = %scan3A_36 to %scan3A_38 step %scan3A_39  : i32 {
      %mul3A_145 = arith.constant 2 : i32
      %mul3A_146 = arith.muli %scan3A_144, %mul3A_145 : i32
      %add3A_147 = arith.constant 0 : i32
      %add3A_148 = arith.addi %add3A_147, %mul3A_146 : i32
      %add3A_149 = arith.constant 0 : i32
      %add3A_150 = arith.addi %add3A_148, %add3A_149 : i32
      %dma_wait3A_151 = arith.constant 0 : i32
      %dma_wait3A_152 = arith.constant 0 : i32
      %dma_wait3A_153 = arith.constant 0 : i32
      %dma_wait3A_154 = tpu.memref_slice %arg8[%dma_wait3A_151, %dma_wait3A_152, %dma_wait3A_153] : memref<2x128x16xf32, #tpu.memory_space<vmem>> -> memref<1x128x16xf32, #tpu.memory_space<vmem>>
      %dma_wait3A_155 = tpu.memref_squeeze %dma_wait3A_154 : memref<1x128x16xf32, #tpu.memory_space<vmem>> -> memref<128x16xf32, #tpu.memory_space<vmem>>
      %dma_wait3A_156 = arith.constant 0 : i32
      %dma_wait3A_157 = tpu.memref_slice %arg6[%add3A_150, %dma_wait3A_156] : memref<392x128xi32, #tpu.memory_space<vmem>> -> memref<1x128xi32, #tpu.memory_space<vmem>>
      %dma_wait3A_158 = tpu.memref_squeeze %dma_wait3A_157 : memref<1x128xi32, #tpu.memory_space<vmem>> -> memref<128xi32, #tpu.memory_space<vmem>>
      %dma_wait3A_159 = arith.constant 0 : i32
      %dma_wait3A_160 = arith.constant 0 : i32
      %dma_wait3A_161 = tpu.memref_slice %arg2[%dma_wait3A_159, %dma_wait3A_160] : memref<200192x16xf32, #tpu.memory_space<hbm>> -> memref<200192x16xf32, #tpu.memory_space<hbm>>
      tpu.wait_indirect_dma semaphore(%arg10 : memref<!tpu.dma_semaphore, #tpu.memory_space<semaphore_mem>>) src(%dma_wait3A_161 : memref<200192x16xf32, #tpu.memory_space<hbm>>) dst(%dma_wait3A_155 : memref<128x16xf32, #tpu.memory_space<vmem>>)
      %add3A_162 = arith.constant 0 : i32
      %add3A_163 = arith.addi %add3A_148, %add3A_162 : i32
      %run_scoped3A_164 = arith.constant 0 : i32
      "tpu.region"() ({
        %run_scoped3A_211 = tpu.sem_alloc : memref<!tpu.dma_semaphore, #tpu.memory_space<semaphore_mem>>
        %dma_start3A_212 = arith.constant 0 : i32
        %dma_start3A_213 = arith.constant 0 : i32
        %dma_start3A_214 = tpu.memref_slice %arg8[%run_scoped3A_164, %dma_start3A_212, %dma_start3A_213] : memref<2x128x16xf32, #tpu.memory_space<vmem>> -> memref<1x128x16xf32, #tpu.memory_space<vmem>>
        %dma_start3A_215 = tpu.memref_squeeze %dma_start3A_214 : memref<1x128x16xf32, #tpu.memory_space<vmem>> -> memref<128x16xf32, #tpu.memory_space<vmem>>
        %dma_start3A_216 = arith.constant 0 : i32
        %dma_start3A_217 = tpu.memref_slice %arg7[%add3A_163, %dma_start3A_216] : memref<392x128xi32, #tpu.memory_space<vmem>> -> memref<1x128xi32, #tpu.memory_space<vmem>>
        %dma_start3A_218 = tpu.memref_squeeze %dma_start3A_217 : memref<1x128xi32, #tpu.memory_space<vmem>> -> memref<128xi32, #tpu.memory_space<vmem>>
        %dma_start3A_219 = arith.constant 0 : i32
        %dma_start3A_220 = arith.constant 0 : i32
        %dma_start3A_221 = tpu.memref_slice %arg9[%dma_start3A_219, %dma_start3A_220] : memref<25088x16xf32, #tpu.memory_space<vmem_shared>> -> memref<25088x16xf32, #tpu.memory_space<vmem_shared>>
        tpu.enqueue_indirect_dma source(%dma_start3A_215 : memref<128x16xf32, #tpu.memory_space<vmem>>) target(%dma_start3A_221 : memref<25088x16xf32, #tpu.memory_space<vmem_shared>>) offsets(%dma_start3A_218 : memref<128xi32, #tpu.memory_space<vmem>>) semaphore(%run_scoped3A_211 : memref<!tpu.dma_semaphore, #tpu.memory_space<semaphore_mem>>) {add = true}
        %dma_wait3A_222 = arith.constant 0 : i32
        %dma_wait3A_223 = arith.constant 0 : i32
        %dma_wait3A_224 = tpu.memref_slice %arg8[%run_scoped3A_164, %dma_wait3A_222, %dma_wait3A_223] : memref<2x128x16xf32, #tpu.memory_space<vmem>> -> memref<1x128x16xf32, #tpu.memory_space<vmem>>
        %dma_wait3A_225 = tpu.memref_squeeze %dma_wait3A_224 : memref<1x128x16xf32, #tpu.memory_space<vmem>> -> memref<128x16xf32, #tpu.memory_space<vmem>>
        %dma_wait3A_226 = arith.constant 0 : i32
        %dma_wait3A_227 = tpu.memref_slice %arg7[%add3A_163, %dma_wait3A_226] : memref<392x128xi32, #tpu.memory_space<vmem>> -> memref<1x128xi32, #tpu.memory_space<vmem>>
        %dma_wait3A_228 = tpu.memref_squeeze %dma_wait3A_227 : memref<1x128xi32, #tpu.memory_space<vmem>> -> memref<128xi32, #tpu.memory_space<vmem>>
        %dma_wait3A_229 = arith.constant 0 : i32
        %dma_wait3A_230 = arith.constant 0 : i32
        %dma_wait3A_231 = tpu.memref_slice %arg9[%dma_wait3A_229, %dma_wait3A_230] : memref<25088x16xf32, #tpu.memory_space<vmem_shared>> -> memref<25088x16xf32, #tpu.memory_space<vmem_shared>>
        tpu.wait_indirect_dma semaphore(%run_scoped3A_211 : memref<!tpu.dma_semaphore, #tpu.memory_space<semaphore_mem>>) src(%dma_wait3A_225 : memref<128x16xf32, #tpu.memory_space<vmem>>) dst(%dma_wait3A_231 : memref<25088x16xf32, #tpu.memory_space<vmem_shared>>)
        tpu.yield
      }) : () -> ()
      %add3A_165 = arith.constant 0 : i32
      %add3A_166 = arith.addi %add3A_148, %add3A_165 : i32
      %add3A_167 = arith.constant 2 : i32
      %add3A_168 = arith.addi %add3A_166, %add3A_167 : i32
      %dma_start3A_169 = arith.constant 0 : i32
      %dma_start3A_170 = arith.constant 0 : i32
      %dma_start3A_171 = arith.constant 0 : i32
      %dma_start3A_172 = tpu.memref_slice %arg8[%dma_start3A_169, %dma_start3A_170, %dma_start3A_171] : memref<2x128x16xf32, #tpu.memory_space<vmem>> -> memref<1x128x16xf32, #tpu.memory_space<vmem>>
      %dma_start3A_173 = tpu.memref_squeeze %dma_start3A_172 : memref<1x128x16xf32, #tpu.memory_space<vmem>> -> memref<128x16xf32, #tpu.memory_space<vmem>>
      %dma_start3A_174 = arith.constant 0 : i32
      %dma_start3A_175 = tpu.memref_slice %arg6[%add3A_168, %dma_start3A_174] : memref<392x128xi32, #tpu.memory_space<vmem>> -> memref<1x128xi32, #tpu.memory_space<vmem>>
      %dma_start3A_176 = tpu.memref_squeeze %dma_start3A_175 : memref<1x128xi32, #tpu.memory_space<vmem>> -> memref<128xi32, #tpu.memory_space<vmem>>
      %dma_start3A_177 = arith.constant 0 : i32
      %dma_start3A_178 = arith.constant 0 : i32
      %dma_start3A_179 = tpu.memref_slice %arg2[%dma_start3A_177, %dma_start3A_178] : memref<200192x16xf32, #tpu.memory_space<hbm>> -> memref<200192x16xf32, #tpu.memory_space<hbm>>
      tpu.enqueue_indirect_dma source(%dma_start3A_179 : memref<200192x16xf32, #tpu.memory_space<hbm>>) target(%dma_start3A_173 : memref<128x16xf32, #tpu.memory_space<vmem>>) offsets(%dma_start3A_176 : memref<128xi32, #tpu.memory_space<vmem>>) semaphore(%arg10 : memref<!tpu.dma_semaphore, #tpu.memory_space<semaphore_mem>>)
      %add3A_180 = arith.constant 1 : i32
      %add3A_181 = arith.addi %add3A_148, %add3A_180 : i32
      %dma_wait3A_182 = arith.constant 1 : i32
      %dma_wait3A_183 = arith.constant 0 : i32
      %dma_wait3A_184 = arith.constant 0 : i32
      %dma_wait3A_185 = tpu.memref_slice %arg8[%dma_wait3A_182, %dma_wait3A_183, %dma_wait3A_184] : memref<2x128x16xf32, #tpu.memory_space<vmem>> -> memref<1x128x16xf32, #tpu.memory_space<vmem>>
      %dma_wait3A_186 = tpu.memref_squeeze %dma_wait3A_185 : memref<1x128x16xf32, #tpu.memory_space<vmem>> -> memref<128x16xf32, #tpu.memory_space<vmem>>
      %dma_wait3A_187 = arith.constant 0 : i32
      %dma_wait3A_188 = tpu.memref_slice %arg6[%add3A_181, %dma_wait3A_187] : memref<392x128xi32, #tpu.memory_space<vmem>> -> memref<1x128xi32, #tpu.memory_space<vmem>>
      %dma_wait3A_189 = tpu.memref_squeeze %dma_wait3A_188 : memref<1x128xi32, #tpu.memory_space<vmem>> -> memref<128xi32, #tpu.memory_space<vmem>>
      %dma_wait3A_190 = arith.constant 0 : i32
      %dma_wait3A_191 = arith.constant 0 : i32
      %dma_wait3A_192 = tpu.memref_slice %arg2[%dma_wait3A_190, %dma_wait3A_191] : memref<200192x16xf32, #tpu.memory_space<hbm>> -> memref<200192x16xf32, #tpu.memory_space<hbm>>
      tpu.wait_indirect_dma semaphore(%arg11 : memref<!tpu.dma_semaphore, #tpu.memory_space<semaphore_mem>>) src(%dma_wait3A_192 : memref<200192x16xf32, #tpu.memory_space<hbm>>) dst(%dma_wait3A_186 : memref<128x16xf32, #tpu.memory_space<vmem>>)
      %add3A_193 = arith.constant 1 : i32
      %add3A_194 = arith.addi %add3A_148, %add3A_193 : i32
      %run_scoped3A_195 = arith.constant 1 : i32
      "tpu.region"() ({
        %run_scoped3A_211 = tpu.sem_alloc : memref<!tpu.dma_semaphore, #tpu.memory_space<semaphore_mem>>
        %dma_start3A_212 = arith.constant 0 : i32
        %dma_start3A_213 = arith.constant 0 : i32
        %dma_start3A_214 = tpu.memref_slice %arg8[%run_scoped3A_195, %dma_start3A_212, %dma_start3A_213] : memref<2x128x16xf32, #tpu.memory_space<vmem>> -> memref<1x128x16xf32, #tpu.memory_space<vmem>>
        %dma_start3A_215 = tpu.memref_squeeze %dma_start3A_214 : memref<1x128x16xf32, #tpu.memory_space<vmem>> -> memref<128x16xf32, #tpu.memory_space<vmem>>
        %dma_start3A_216 = arith.constant 0 : i32
        %dma_start3A_217 = tpu.memref_slice %arg7[%add3A_194, %dma_start3A_216] : memref<392x128xi32, #tpu.memory_space<vmem>> -> memref<1x128xi32, #tpu.memory_space<vmem>>
        %dma_start3A_218 = tpu.memref_squeeze %dma_start3A_217 : memref<1x128xi32, #tpu.memory_space<vmem>> -> memref<128xi32, #tpu.memory_space<vmem>>
        %dma_start3A_219 = arith.constant 0 : i32
        %dma_start3A_220 = arith.constant 0 : i32
        %dma_start3A_221 = tpu.memref_slice %arg9[%dma_start3A_219, %dma_start3A_220] : memref<25088x16xf32, #tpu.memory_space<vmem_shared>> -> memref<25088x16xf32, #tpu.memory_space<vmem_shared>>
        tpu.enqueue_indirect_dma source(%dma_start3A_215 : memref<128x16xf32, #tpu.memory_space<vmem>>) target(%dma_start3A_221 : memref<25088x16xf32, #tpu.memory_space<vmem_shared>>) offsets(%dma_start3A_218 : memref<128xi32, #tpu.memory_space<vmem>>) semaphore(%run_scoped3A_211 : memref<!tpu.dma_semaphore, #tpu.memory_space<semaphore_mem>>) {add = true}
        %dma_wait3A_222 = arith.constant 0 : i32
        %dma_wait3A_223 = arith.constant 0 : i32
        %dma_wait3A_224 = tpu.memref_slice %arg8[%run_scoped3A_195, %dma_wait3A_222, %dma_wait3A_223] : memref<2x128x16xf32, #tpu.memory_space<vmem>> -> memref<1x128x16xf32, #tpu.memory_space<vmem>>
        %dma_wait3A_225 = tpu.memref_squeeze %dma_wait3A_224 : memref<1x128x16xf32, #tpu.memory_space<vmem>> -> memref<128x16xf32, #tpu.memory_space<vmem>>
        %dma_wait3A_226 = arith.constant 0 : i32
        %dma_wait3A_227 = tpu.memref_slice %arg7[%add3A_194, %dma_wait3A_226] : memref<392x128xi32, #tpu.memory_space<vmem>> -> memref<1x128xi32, #tpu.memory_space<vmem>>
        %dma_wait3A_228 = tpu.memref_squeeze %dma_wait3A_227 : memref<1x128xi32, #tpu.memory_space<vmem>> -> memref<128xi32, #tpu.memory_space<vmem>>
        %dma_wait3A_229 = arith.constant 0 : i32
        %dma_wait3A_230 = arith.constant 0 : i32
        %dma_wait3A_231 = tpu.memref_slice %arg9[%dma_wait3A_229, %dma_wait3A_230] : memref<25088x16xf32, #tpu.memory_space<vmem_shared>> -> memref<25088x16xf32, #tpu.memory_space<vmem_shared>>
        tpu.wait_indirect_dma semaphore(%run_scoped3A_211 : memref<!tpu.dma_semaphore, #tpu.memory_space<semaphore_mem>>) src(%dma_wait3A_225 : memref<128x16xf32, #tpu.memory_space<vmem>>) dst(%dma_wait3A_231 : memref<25088x16xf32, #tpu.memory_space<vmem_shared>>)
        tpu.yield
      }) : () -> ()
      %add3A_196 = arith.constant 1 : i32
      %add3A_197 = arith.addi %add3A_148, %add3A_196 : i32
      %add3A_198 = arith.constant 2 : i32
      %add3A_199 = arith.addi %add3A_197, %add3A_198 : i32
      %dma_start3A_200 = arith.constant 1 : i32
      %dma_start3A_201 = arith.constant 0 : i32
      %dma_start3A_202 = arith.constant 0 : i32
      %dma_start3A_203 = tpu.memref_slice %arg8[%dma_start3A_200, %dma_start3A_201, %dma_start3A_202] : memref<2x128x16xf32, #tpu.memory_space<vmem>> -> memref<1x128x16xf32, #tpu.memory_space<vmem>>
      %dma_start3A_204 = tpu.memref_squeeze %dma_start3A_203 : memref<1x128x16xf32, #tpu.memory_space<vmem>> -> memref<128x16xf32, #tpu.memory_space<vmem>>
      %dma_start3A_205 = arith.constant 0 : i32
      %dma_start3A_206 = tpu.memref_slice %arg6[%add3A_199, %dma_start3A_205] : memref<392x128xi32, #tpu.memory_space<vmem>> -> memref<1x128xi32, #tpu.memory_space<vmem>>
      %dma_start3A_207 = tpu.memref_squeeze %dma_start3A_206 : memref<1x128xi32, #tpu.memory_space<vmem>> -> memref<128xi32, #tpu.memory_space<vmem>>
      %dma_start3A_208 = arith.constant 0 : i32
      %dma_start3A_209 = arith.constant 0 : i32
      %dma_start3A_210 = tpu.memref_slice %arg2[%dma_start3A_208, %dma_start3A_209] : memref<200192x16xf32, #tpu.memory_space<hbm>> -> memref<200192x16xf32, #tpu.memory_space<hbm>>
      tpu.enqueue_indirect_dma source(%dma_start3A_210 : memref<200192x16xf32, #tpu.memory_space<hbm>>) target(%dma_start3A_204 : memref<128x16xf32, #tpu.memory_space<vmem>>) offsets(%dma_start3A_207 : memref<128xi32, #tpu.memory_space<vmem>>) semaphore(%arg11 : memref<!tpu.dma_semaphore, #tpu.memory_space<semaphore_mem>>)
    }
    %scan3A_40 = arith.constant 195 : i32
    %dma_wait3A = arith.constant 390 : i32
    %dma_wait3A_41 = arith.constant 0 : i32
    %dma_wait3A_42 = arith.constant 0 : i32
    %dma_wait3A_43 = arith.constant 0 : i32
    %dma_wait3A_44 = tpu.memref_slice %arg8[%dma_wait3A_41, %dma_wait3A_42, %dma_wait3A_43] : memref<2x128x16xf32, #tpu.memory_space<vmem>> -> memref<1x128x16xf32, #tpu.memory_space<vmem>>
    %dma_wait3A_45 = tpu.memref_squeeze %dma_wait3A_44 : memref<1x128x16xf32, #tpu.memory_space<vmem>> -> memref<128x16xf32, #tpu.memory_space<vmem>>
    %dma_wait3A_46 = arith.constant 0 : i32
    %dma_wait3A_47 = tpu.memref_slice %arg6[%dma_wait3A, %dma_wait3A_46] : memref<392x128xi32, #tpu.memory_space<vmem>> -> memref<1x128xi32, #tpu.memory_space<vmem>>
    %dma_wait3A_48 = tpu.memref_squeeze %dma_wait3A_47 : memref<1x128xi32, #tpu.memory_space<vmem>> -> memref<128xi32, #tpu.memory_space<vmem>>
    %dma_wait3A_49 = arith.constant 0 : i32
    %dma_wait3A_50 = arith.constant 0 : i32
    %dma_wait3A_51 = tpu.memref_slice %arg2[%dma_wait3A_49, %dma_wait3A_50] : memref<200192x16xf32, #tpu.memory_space<hbm>> -> memref<200192x16xf32, #tpu.memory_space<hbm>>
    tpu.wait_indirect_dma semaphore(%arg10 : memref<!tpu.dma_semaphore, #tpu.memory_space<semaphore_mem>>) src(%dma_wait3A_51 : memref<200192x16xf32, #tpu.memory_space<hbm>>) dst(%dma_wait3A_45 : memref<128x16xf32, #tpu.memory_space<vmem>>)
    %run_scoped3A_52 = arith.constant 0 : i32
    %run_scoped3A_53 = arith.constant 390 : i32
    "tpu.region"() ({
      %run_scoped3A_144 = tpu.sem_alloc : memref<!tpu.dma_semaphore, #tpu.memory_space<semaphore_mem>>
      %dma_start3A_145 = arith.constant 0 : i32
      %dma_start3A_146 = arith.constant 0 : i32
      %dma_start3A_147 = tpu.memref_slice %arg8[%run_scoped3A_52, %dma_start3A_145, %dma_start3A_146] : memref<2x128x16xf32, #tpu.memory_space<vmem>> -> memref<1x128x16xf32, #tpu.memory_space<vmem>>
      %dma_start3A_148 = tpu.memref_squeeze %dma_start3A_147 : memref<1x128x16xf32, #tpu.memory_space<vmem>> -> memref<128x16xf32, #tpu.memory_space<vmem>>
      %dma_start3A_149 = arith.constant 0 : i32
      %dma_start3A_150 = tpu.memref_slice %arg7[%run_scoped3A_53, %dma_start3A_149] : memref<392x128xi32, #tpu.memory_space<vmem>> -> memref<1x128xi32, #tpu.memory_space<vmem>>
      %dma_start3A_151 = tpu.memref_squeeze %dma_start3A_150 : memref<1x128xi32, #tpu.memory_space<vmem>> -> memref<128xi32, #tpu.memory_space<vmem>>
      %dma_start3A_152 = arith.constant 0 : i32
      %dma_start3A_153 = arith.constant 0 : i32
      %dma_start3A_154 = tpu.memref_slice %arg9[%dma_start3A_152, %dma_start3A_153] : memref<25088x16xf32, #tpu.memory_space<vmem_shared>> -> memref<25088x16xf32, #tpu.memory_space<vmem_shared>>
      tpu.enqueue_indirect_dma source(%dma_start3A_148 : memref<128x16xf32, #tpu.memory_space<vmem>>) target(%dma_start3A_154 : memref<25088x16xf32, #tpu.memory_space<vmem_shared>>) offsets(%dma_start3A_151 : memref<128xi32, #tpu.memory_space<vmem>>) semaphore(%run_scoped3A_144 : memref<!tpu.dma_semaphore, #tpu.memory_space<semaphore_mem>>) {add = true}
      %dma_wait3A_155 = arith.constant 0 : i32
      %dma_wait3A_156 = arith.constant 0 : i32
      %dma_wait3A_157 = tpu.memref_slice %arg8[%run_scoped3A_52, %dma_wait3A_155, %dma_wait3A_156] : memref<2x128x16xf32, #tpu.memory_space<vmem>> -> memref<1x128x16xf32, #tpu.memory_space<vmem>>
      %dma_wait3A_158 = tpu.memref_squeeze %dma_wait3A_157 : memref<1x128x16xf32, #tpu.memory_space<vmem>> -> memref<128x16xf32, #tpu.memory_space<vmem>>
      %dma_wait3A_159 = arith.constant 0 : i32
      %dma_wait3A_160 = tpu.memref_slice %arg7[%run_scoped3A_53, %dma_wait3A_159] : memref<392x128xi32, #tpu.memory_space<vmem>> -> memref<1x128xi32, #tpu.memory_space<vmem>>
      %dma_wait3A_161 = tpu.memref_squeeze %dma_wait3A_160 : memref<1x128xi32, #tpu.memory_space<vmem>> -> memref<128xi32, #tpu.memory_space<vmem>>
      %dma_wait3A_162 = arith.constant 0 : i32
      %dma_wait3A_163 = arith.constant 0 : i32
      %dma_wait3A_164 = tpu.memref_slice %arg9[%dma_wait3A_162, %dma_wait3A_163] : memref<25088x16xf32, #tpu.memory_space<vmem_shared>> -> memref<25088x16xf32, #tpu.memory_space<vmem_shared>>
      tpu.wait_indirect_dma semaphore(%run_scoped3A_144 : memref<!tpu.dma_semaphore, #tpu.memory_space<semaphore_mem>>) src(%dma_wait3A_158 : memref<128x16xf32, #tpu.memory_space<vmem>>) dst(%dma_wait3A_164 : memref<25088x16xf32, #tpu.memory_space<vmem_shared>>)
      tpu.yield
    }) : () -> ()
    %dma_wait3A_54 = arith.constant 391 : i32
    %dma_wait3A_55 = arith.constant 1 : i32
    %dma_wait3A_56 = arith.constant 0 : i32
    %dma_wait3A_57 = arith.constant 0 : i32
    %dma_wait3A_58 = tpu.memref_slice %arg8[%dma_wait3A_55, %dma_wait3A_56, %dma_wait3A_57] : memref<2x128x16xf32, #tpu.memory_space<vmem>> -> memref<1x128x16xf32, #tpu.memory_space<vmem>>
    %dma_wait3A_59 = tpu.memref_squeeze %dma_wait3A_58 : memref<1x128x16xf32, #tpu.memory_space<vmem>> -> memref<128x16xf32, #tpu.memory_space<vmem>>
    %dma_wait3A_60 = arith.constant 0 : i32
    %dma_wait3A_61 = tpu.memref_slice %arg6[%dma_wait3A_54, %dma_wait3A_60] : memref<392x128xi32, #tpu.memory_space<vmem>> -> memref<1x128xi32, #tpu.memory_space<vmem>>
    %dma_wait3A_62 = tpu.memref_squeeze %dma_wait3A_61 : memref<1x128xi32, #tpu.memory_space<vmem>> -> memref<128xi32, #tpu.memory_space<vmem>>
    %dma_wait3A_63 = arith.constant 0 : i32
    %dma_wait3A_64 = arith.constant 0 : i32
    %dma_wait3A_65 = tpu.memref_slice %arg2[%dma_wait3A_63, %dma_wait3A_64] : memref<200192x16xf32, #tpu.memory_space<hbm>> -> memref<200192x16xf32, #tpu.memory_space<hbm>>
    tpu.wait_indirect_dma semaphore(%arg11 : memref<!tpu.dma_semaphore, #tpu.memory_space<semaphore_mem>>) src(%dma_wait3A_65 : memref<200192x16xf32, #tpu.memory_space<hbm>>) dst(%dma_wait3A_59 : memref<128x16xf32, #tpu.memory_space<vmem>>)
    %run_scoped3A_66 = arith.constant 1 : i32
    %run_scoped3A_67 = arith.constant 391 : i32
    "tpu.region"() ({
      %run_scoped3A_144 = tpu.sem_alloc : memref<!tpu.dma_semaphore, #tpu.memory_space<semaphore_mem>>
      %dma_start3A_145 = arith.constant 0 : i32
      %dma_start3A_146 = arith.constant 0 : i32
      %dma_start3A_147 = tpu.memref_slice %arg8[%run_scoped3A_66, %dma_start3A_145, %dma_start3A_146] : memref<2x128x16xf32, #tpu.memory_space<vmem>> -> memref<1x128x16xf32, #tpu.memory_space<vmem>>
      %dma_start3A_148 = tpu.memref_squeeze %dma_start3A_147 : memref<1x128x16xf32, #tpu.memory_space<vmem>> -> memref<128x16xf32, #tpu.memory_space<vmem>>
      %dma_start3A_149 = arith.constant 0 : i32
      %dma_start3A_150 = tpu.memref_slice %arg7[%run_scoped3A_67, %dma_start3A_149] : memref<392x128xi32, #tpu.memory_space<vmem>> -> memref<1x128xi32, #tpu.memory_space<vmem>>
      %dma_start3A_151 = tpu.memref_squeeze %dma_start3A_150 : memref<1x128xi32, #tpu.memory_space<vmem>> -> memref<128xi32, #tpu.memory_space<vmem>>
      %dma_start3A_152 = arith.constant 0 : i32
      %dma_start3A_153 = arith.constant 0 : i32
      %dma_start3A_154 = tpu.memref_slice %arg9[%dma_start3A_152, %dma_start3A_153] : memref<25088x16xf32, #tpu.memory_space<vmem_shared>> -> memref<25088x16xf32, #tpu.memory_space<vmem_shared>>
      tpu.enqueue_indirect_dma source(%dma_start3A_148 : memref<128x16xf32, #tpu.memory_space<vmem>>) target(%dma_start3A_154 : memref<25088x16xf32, #tpu.memory_space<vmem_shared>>) offsets(%dma_start3A_151 : memref<128xi32, #tpu.memory_space<vmem>>) semaphore(%run_scoped3A_144 : memref<!tpu.dma_semaphore, #tpu.memory_space<semaphore_mem>>) {add = true}
      %dma_wait3A_155 = arith.constant 0 : i32
      %dma_wait3A_156 = arith.constant 0 : i32
      %dma_wait3A_157 = tpu.memref_slice %arg8[%run_scoped3A_66, %dma_wait3A_155, %dma_wait3A_156] : memref<2x128x16xf32, #tpu.memory_space<vmem>> -> memref<1x128x16xf32, #tpu.memory_space<vmem>>
      %dma_wait3A_158 = tpu.memref_squeeze %dma_wait3A_157 : memref<1x128x16xf32, #tpu.memory_space<vmem>> -> memref<128x16xf32, #tpu.memory_space<vmem>>
      %dma_wait3A_159 = arith.constant 0 : i32
      %dma_wait3A_160 = tpu.memref_slice %arg7[%run_scoped3A_67, %dma_wait3A_159] : memref<392x128xi32, #tpu.memory_space<vmem>> -> memref<1x128xi32, #tpu.memory_space<vmem>>
      %dma_wait3A_161 = tpu.memref_squeeze %dma_wait3A_160 : memref<1x128xi32, #tpu.memory_space<vmem>> -> memref<128xi32, #tpu.memory_space<vmem>>
      %dma_wait3A_162 = arith.constant 0 : i32
      %dma_wait3A_163 = arith.constant 0 : i32
      %dma_wait3A_164 = tpu.memref_slice %arg9[%dma_wait3A_162, %dma_wait3A_163] : memref<25088x16xf32, #tpu.memory_space<vmem_shared>> -> memref<25088x16xf32, #tpu.memory_space<vmem_shared>>
      tpu.wait_indirect_dma semaphore(%run_scoped3A_144 : memref<!tpu.dma_semaphore, #tpu.memory_space<semaphore_mem>>) src(%dma_wait3A_158 : memref<128x16xf32, #tpu.memory_space<vmem>>) dst(%dma_wait3A_164 : memref<25088x16xf32, #tpu.memory_space<vmem_shared>>)
      tpu.yield
    }) : () -> ()
    %barrier3A_68 = arith.constant 0 : index
    tpu.barrier barrier_id(%barrier3A_68)
    %run_scoped3A_69 = arith.constant 0 : i32
    "tpu.region"() ({
      %run_scoped3A_144 = tpu.sem_alloc : memref<!tpu.dma_semaphore, #tpu.memory_space<semaphore_mem>>
      %dma_start3A_145 = arith.constant 0 : i32
      %dma_start3A_146 = arith.constant 0 : i32
      %dma_start3A_147 = arith.constant 0 : i32
      %dma_start3A_148 = tpu.memref_slice %arg5[%run_scoped3A_69, %dma_start3A_145, %dma_start3A_146, %dma_start3A_147] : memref<2x2x25088x16xf32, #tpu.memory_space<hbm>> -> memref<1x2x25088x16xf32, #tpu.memory_space<hbm>>
      %dma_start3A_149 = tpu.memref_squeeze %dma_start3A_148 : memref<1x2x25088x16xf32, #tpu.memory_space<hbm>> -> memref<2x25088x16xf32, #tpu.memory_space<hbm>>
      %dma_start3A_150 = arith.constant 0 : i32
      %dma_start3A_151 = arith.constant 0 : i32
      %dma_start3A_152 = tpu.memref_slice %dma_start3A_149[%arg0, %dma_start3A_150, %dma_start3A_151] : memref<2x25088x16xf32, #tpu.memory_space<hbm>> -> memref<1x25088x16xf32, #tpu.memory_space<hbm>>
      %dma_start3A_153 = tpu.memref_squeeze %dma_start3A_152 : memref<1x25088x16xf32, #tpu.memory_space<hbm>> -> memref<25088x16xf32, #tpu.memory_space<hbm>>
      %dma_start3A_154 = arith.constant 0 : i32
      %dma_start3A_155 = tpu.memref_slice %dma_start3A_153[%mul3A_0, %dma_start3A_154] : memref<25088x16xf32, #tpu.memory_space<hbm>> -> memref<1568x16xf32, #tpu.memory_space<hbm>>
      %dma_start3A_156 = arith.constant 0 : i32
      %dma_start3A_157 = tpu.memref_slice %arg9[%mul3A_0, %dma_start3A_156] : memref<25088x16xf32, #tpu.memory_space<vmem_shared>> -> memref<1568x16xf32, #tpu.memory_space<vmem_shared>>
      tpu.enqueue_dma source(%dma_start3A_157 : memref<1568x16xf32, #tpu.memory_space<vmem_shared>>) target(%dma_start3A_155 : memref<1568x16xf32, #tpu.memory_space<hbm>>) target_semaphore(%run_scoped3A_144 : memref<!tpu.dma_semaphore, #tpu.memory_space<semaphore_mem>>)
      %dma_wait3A_158 = arith.constant 0 : i32
      %dma_wait3A_159 = arith.constant 0 : i32
      %dma_wait3A_160 = arith.constant 0 : i32
      %dma_wait3A_161 = tpu.memref_slice %arg5[%run_scoped3A_69, %dma_wait3A_158, %dma_wait3A_159, %dma_wait3A_160] : memref<2x2x25088x16xf32, #tpu.memory_space<hbm>> -> memref<1x2x25088x16xf32, #tpu.memory_space<hbm>>
      %dma_wait3A_162 = tpu.memref_squeeze %dma_wait3A_161 : memref<1x2x25088x16xf32, #tpu.memory_space<hbm>> -> memref<2x25088x16xf32, #tpu.memory_space<hbm>>
      %dma_wait3A_163 = arith.constant 0 : i32
      %dma_wait3A_164 = arith.constant 0 : i32
      %dma_wait3A_165 = tpu.memref_slice %dma_wait3A_162[%arg0, %dma_wait3A_163, %dma_wait3A_164] : memref<2x25088x16xf32, #tpu.memory_space<hbm>> -> memref<1x25088x16xf32, #tpu.memory_space<hbm>>
      %dma_wait3A_166 = tpu.memref_squeeze %dma_wait3A_165 : memref<1x25088x16xf32, #tpu.memory_space<hbm>> -> memref<25088x16xf32, #tpu.memory_space<hbm>>
      %dma_wait3A_167 = arith.constant 0 : i32
      %dma_wait3A_168 = tpu.memref_slice %dma_wait3A_166[%mul3A_0, %dma_wait3A_167] : memref<25088x16xf32, #tpu.memory_space<hbm>> -> memref<1568x16xf32, #tpu.memory_space<hbm>>
      %dma_wait3A_169 = arith.constant 0 : i32
      %dma_wait3A_170 = tpu.memref_slice %arg9[%mul3A_0, %dma_wait3A_169] : memref<25088x16xf32, #tpu.memory_space<vmem_shared>> -> memref<1568x16xf32, #tpu.memory_space<vmem_shared>>
      tpu.wait_dma2 semaphore(%run_scoped3A_144 : memref<!tpu.dma_semaphore, #tpu.memory_space<semaphore_mem>>) src(%dma_wait3A_170 : memref<1568x16xf32, #tpu.memory_space<vmem_shared>>) dst(%dma_wait3A_168 : memref<1568x16xf32, #tpu.memory_space<hbm>>)
      tpu.yield
    }) : () -> ()
    %run_scoped3A_70 = arith.constant 1 : i32
    "tpu.region"() ({
      %run_scoped3A_144 = tpu.sem_alloc : memref<!tpu.dma_semaphore, #tpu.memory_space<semaphore_mem>>
      %dma_start3A_145 = arith.constant 0 : i32
      %dma_start3A_146 = arith.constant 0 : i32
      %dma_start3A_147 = arith.constant 0 : i32
      %dma_start3A_148 = tpu.memref_slice %arg4[%run_scoped3A_70, %dma_start3A_145, %dma_start3A_146, %dma_start3A_147] : memref<2x16x392x128xi32, #tpu.memory_space<hbm>> -> memref<1x16x392x128xi32, #tpu.memory_space<hbm>>
      %dma_start3A_149 = tpu.memref_squeeze %dma_start3A_148 : memref<1x16x392x128xi32, #tpu.memory_space<hbm>> -> memref<16x392x128xi32, #tpu.memory_space<hbm>>
      %dma_start3A_150 = arith.constant 0 : i32
      %dma_start3A_151 = arith.constant 0 : i32
      %dma_start3A_152 = tpu.memref_slice %dma_start3A_149[%arg1, %dma_start3A_150, %dma_start3A_151] : memref<16x392x128xi32, #tpu.memory_space<hbm>> -> memref<1x392x128xi32, #tpu.memory_space<hbm>>
      %dma_start3A_153 = tpu.memref_squeeze %dma_start3A_152 : memref<1x392x128xi32, #tpu.memory_space<hbm>> -> memref<392x128xi32, #tpu.memory_space<hbm>>
      %dma_start3A_154 = arith.constant 0 : i32
      %dma_start3A_155 = arith.constant 0 : i32
      %dma_start3A_156 = arith.constant 0 : i32
      %dma_start3A_157 = tpu.memref_slice %arg4[%run_scoped3A_70, %dma_start3A_154, %dma_start3A_155, %dma_start3A_156] : memref<2x16x392x128xi32, #tpu.memory_space<hbm>> -> memref<1x16x392x128xi32, #tpu.memory_space<hbm>>
      %dma_start3A_158 = tpu.memref_squeeze %dma_start3A_157 : memref<1x16x392x128xi32, #tpu.memory_space<hbm>> -> memref<16x392x128xi32, #tpu.memory_space<hbm>>
      %dma_start3A_159 = arith.constant 0 : i32
      %dma_start3A_160 = arith.constant 0 : i32
      %dma_start3A_161 = tpu.memref_slice %dma_start3A_158[%arg1, %dma_start3A_159, %dma_start3A_160] : memref<16x392x128xi32, #tpu.memory_space<hbm>> -> memref<1x392x128xi32, #tpu.memory_space<hbm>>
      %dma_start3A_162 = tpu.memref_squeeze %dma_start3A_161 : memref<1x392x128xi32, #tpu.memory_space<hbm>> -> memref<392x128xi32, #tpu.memory_space<hbm>>
      tpu.enqueue_dma source(%dma_start3A_162 : memref<392x128xi32, #tpu.memory_space<hbm>>) target(%arg7 : memref<392x128xi32, #tpu.memory_space<vmem>>) target_semaphore(%run_scoped3A_144 : memref<!tpu.dma_semaphore, #tpu.memory_space<semaphore_mem>>)
      %dma_wait3A_163 = arith.constant 0 : i32
      %dma_wait3A_164 = arith.constant 0 : i32
      %dma_wait3A_165 = arith.constant 0 : i32
      %dma_wait3A_166 = tpu.memref_slice %arg4[%run_scoped3A_70, %dma_wait3A_163, %dma_wait3A_164, %dma_wait3A_165] : memref<2x16x392x128xi32, #tpu.memory_space<hbm>> -> memref<1x16x392x128xi32, #tpu.memory_space<hbm>>
      %dma_wait3A_167 = tpu.memref_squeeze %dma_wait3A_166 : memref<1x16x392x128xi32, #tpu.memory_space<hbm>> -> memref<16x392x128xi32, #tpu.memory_space<hbm>>
      %dma_wait3A_168 = arith.constant 0 : i32
      %dma_wait3A_169 = arith.constant 0 : i32
      %dma_wait3A_170 = tpu.memref_slice %dma_wait3A_167[%arg1, %dma_wait3A_168, %dma_wait3A_169] : memref<16x392x128xi32, #tpu.memory_space<hbm>> -> memref<1x392x128xi32, #tpu.memory_space<hbm>>
      %dma_wait3A_171 = tpu.memref_squeeze %dma_wait3A_170 : memref<1x392x128xi32, #tpu.memory_space<hbm>> -> memref<392x128xi32, #tpu.memory_space<hbm>>
      %dma_wait3A_172 = arith.constant 0 : i32
      %dma_wait3A_173 = arith.constant 0 : i32
      %dma_wait3A_174 = arith.constant 0 : i32
      %dma_wait3A_175 = tpu.memref_slice %arg4[%run_scoped3A_70, %dma_wait3A_172, %dma_wait3A_173, %dma_wait3A_174] : memref<2x16x392x128xi32, #tpu.memory_space<hbm>> -> memref<1x16x392x128xi32, #tpu.memory_space<hbm>>
      %dma_wait3A_176 = tpu.memref_squeeze %dma_wait3A_175 : memref<1x16x392x128xi32, #tpu.memory_space<hbm>> -> memref<16x392x128xi32, #tpu.memory_space<hbm>>
      %dma_wait3A_177 = arith.constant 0 : i32
      %dma_wait3A_178 = arith.constant 0 : i32
      %dma_wait3A_179 = tpu.memref_slice %dma_wait3A_176[%arg1, %dma_wait3A_177, %dma_wait3A_178] : memref<16x392x128xi32, #tpu.memory_space<hbm>> -> memref<1x392x128xi32, #tpu.memory_space<hbm>>
      %dma_wait3A_180 = tpu.memref_squeeze %dma_wait3A_179 : memref<1x392x128xi32, #tpu.memory_space<hbm>> -> memref<392x128xi32, #tpu.memory_space<hbm>>
      tpu.wait_dma2 semaphore(%run_scoped3A_144 : memref<!tpu.dma_semaphore, #tpu.memory_space<semaphore_mem>>) src(%dma_wait3A_180 : memref<392x128xi32, #tpu.memory_space<hbm>>) dst(%arg7 : memref<392x128xi32, #tpu.memory_space<vmem>>)
      tpu.yield
    }) : () -> ()
    %scan3A_71 = arith.constant 0 : i32
    %scan3A_72 = arith.constant 128 : i32
    %scan3A_73 = arith.addi %scan3A_71, %scan3A_72 : i32
    %scan3A_74 = arith.constant 1 : i32
    scf.for %scan3A_144 = %scan3A_71 to %scan3A_73 step %scan3A_74  : i32 {
      %mul3A_145 = arith.constant 1 : i32
      %mul3A_146 = arith.muli %scan3A_144, %mul3A_145 : i32
      %add3A_147 = arith.constant 0 : i32
      %add3A_148 = arith.addi %add3A_147, %mul3A_146 : i32
      %swap3A = arith.constant 0 : i32
      %swap3A_149 = arith.index_cast %swap3A : i32 to index
      %swap3A_150 = arith.index_cast %add3A_148 : i32 to index
      %swap3A_151 = arith.constant 0 : index
      %swap3A_152 = tpu.vector_load %arg8[%swap3A_149, %swap3A_150, %swap3A_151] {strides = array<i32>} : memref<2x128x16xf32, #tpu.memory_space<vmem>>, vector<1x1x16xf32>,
      %swap3A_153 = vector.shape_cast %swap3A_152 : vector<1x1x16xf32> to vector<16xf32>
      %swap3A_154 = vector.shape_cast %broadcast_in_dim3A_1 : vector<16xf32> to vector<1x1x16xf32>
      tpu.vector_store %arg8[%swap3A_149, %swap3A_150, %swap3A_151], %swap3A_154 {strides = array<i32>} : memref<2x128x16xf32, #tpu.memory_space<vmem>>, vector<1x1x16xf32>,
    }
    %scan3A_75 = arith.constant 128 : i32
    %scan3A_76 = arith.constant 0 : i32
    %scan3A_77 = arith.constant 12 : i32
    %scan3A_78 = arith.addi %scan3A_76, %scan3A_77 : i32
    %scan3A_79 = arith.constant 1 : i32
    scf.for %scan3A_144 = %scan3A_76 to %scan3A_78 step %scan3A_79  : i32 {
      %mul3A_145 = arith.constant 1 : i32
      %mul3A_146 = arith.muli %scan3A_144, %mul3A_145 : i32
      %add3A_147 = arith.constant 0 : i32
      %add3A_148 = arith.addi %add3A_147, %mul3A_146 : i32
      %mul3A_149 = arith.constant 128 : i32
      %mul3A_150 = arith.muli %add3A_148, %mul3A_149 : i32
      %add3A_151 = arith.addi %mul3A_0, %mul3A_150 : i32
      %run_scoped3A_152 = arith.constant 0 : i32
      "tpu.region"() ({
        %run_scoped3A_153 = tpu.sem_alloc : memref<!tpu.dma_semaphore, #tpu.memory_space<semaphore_mem>>
        %dma_start3A_154 = arith.constant 0 : i32
        %dma_start3A_155 = arith.constant 0 : i32
        %dma_start3A_156 = tpu.memref_slice %arg8[%run_scoped3A_152, %dma_start3A_154, %dma_start3A_155] : memref<2x128x16xf32, #tpu.memory_space<vmem>> -> memref<1x128x16xf32, #tpu.memory_space<vmem>>
        %dma_start3A_157 = tpu.memref_squeeze %dma_start3A_156 : memref<1x128x16xf32, #tpu.memory_space<vmem>> -> memref<128x16xf32, #tpu.memory_space<vmem>>
        %dma_start3A_158 = arith.constant 0 : i32
        %dma_start3A_159 = tpu.memref_slice %arg9[%add3A_151, %dma_start3A_158] : memref<25088x16xf32, #tpu.memory_space<vmem_shared>> -> memref<128x16xf32, #tpu.memory_space<vmem_shared>>
        %dma_start3A_160 = arith.constant 0 : i32
        %dma_start3A_161 = tpu.memref_slice %arg9[%add3A_151, %dma_start3A_160] : memref<25088x16xf32, #tpu.memory_space<vmem_shared>> -> memref<128x16xf32, #tpu.memory_space<vmem_shared>>
        %dma_start3A_162 = arith.constant 0 : i32
        %dma_start3A_163 = arith.constant 0 : i32
        %dma_start3A_164 = tpu.memref_slice %arg8[%run_scoped3A_152, %dma_start3A_162, %dma_start3A_163] : memref<2x128x16xf32, #tpu.memory_space<vmem>> -> memref<1x128x16xf32, #tpu.memory_space<vmem>>
        %dma_start3A_165 = tpu.memref_squeeze %dma_start3A_164 : memref<1x128x16xf32, #tpu.memory_space<vmem>> -> memref<128x16xf32, #tpu.memory_space<vmem>>
        tpu.enqueue_dma source(%dma_start3A_165 : memref<128x16xf32, #tpu.memory_space<vmem>>) target(%dma_start3A_161 : memref<128x16xf32, #tpu.memory_space<vmem_shared>>) target_semaphore(%run_scoped3A_153 : memref<!tpu.dma_semaphore, #tpu.memory_space<semaphore_mem>>)
        %dma_wait3A_166 = arith.constant 0 : i32
        %dma_wait3A_167 = arith.constant 0 : i32
        %dma_wait3A_168 = tpu.memref_slice %arg8[%run_scoped3A_152, %dma_wait3A_166, %dma_wait3A_167] : memref<2x128x16xf32, #tpu.memory_space<vmem>> -> memref<1x128x16xf32, #tpu.memory_space<vmem>>
        %dma_wait3A_169 = tpu.memref_squeeze %dma_wait3A_168 : memref<1x128x16xf32, #tpu.memory_space<vmem>> -> memref<128x16xf32, #tpu.memory_space<vmem>>
        %dma_wait3A_170 = arith.constant 0 : i32
        %dma_wait3A_171 = tpu.memref_slice %arg9[%add3A_151, %dma_wait3A_170] : memref<25088x16xf32, #tpu.memory_space<vmem_shared>> -> memref<128x16xf32, #tpu.memory_space<vmem_shared>>
        %dma_wait3A_172 = arith.constant 0 : i32
        %dma_wait3A_173 = tpu.memref_slice %arg9[%add3A_151, %dma_wait3A_172] : memref<25088x16xf32, #tpu.memory_space<vmem_shared>> -> memref<128x16xf32, #tpu.memory_space<vmem_shared>>
        %dma_wait3A_174 = arith.constant 0 : i32
        %dma_wait3A_175 = arith.constant 0 : i32
        %dma_wait3A_176 = tpu.memref_slice %arg8[%run_scoped3A_152, %dma_wait3A_174, %dma_wait3A_175] : memref<2x128x16xf32, #tpu.memory_space<vmem>> -> memref<1x128x16xf32, #tpu.memory_space<vmem>>
        %dma_wait3A_177 = tpu.memref_squeeze %dma_wait3A_176 : memref<1x128x16xf32, #tpu.memory_space<vmem>> -> memref<128x16xf32, #tpu.memory_space<vmem>>
        tpu.wait_dma2 semaphore(%run_scoped3A_153 : memref<!tpu.dma_semaphore, #tpu.memory_space<semaphore_mem>>) src(%dma_wait3A_177 : memref<128x16xf32, #tpu.memory_space<vmem>>) dst(%dma_wait3A_173 : memref<128x16xf32, #tpu.memory_space<vmem_shared>>)
        tpu.yield
      }) : () -> ()
    }
    %scan3A_80 = arith.constant 12 : i32
    %add3A_81 = arith.constant 1536 : i32
    %add3A_82 = arith.addi %mul3A_0, %add3A_81 : i32
    %run_scoped3A_83 = arith.constant 0 : i32
    "tpu.region"() ({
      %run_scoped3A_144 = tpu.sem_alloc : memref<!tpu.dma_semaphore, #tpu.memory_space<semaphore_mem>>
      %dma_start3A_145 = arith.constant 0 : i32
      %dma_start3A_146 = arith.constant 0 : i32
      %dma_start3A_147 = tpu.memref_slice %arg8[%run_scoped3A_83, %dma_start3A_145, %dma_start3A_146] : memref<2x128x16xf32, #tpu.memory_space<vmem>> -> memref<1x128x16xf32, #tpu.memory_space<vmem>>
      %dma_start3A_148 = tpu.memref_squeeze %dma_start3A_147 : memref<1x128x16xf32, #tpu.memory_space<vmem>> -> memref<128x16xf32, #tpu.memory_space<vmem>>
      %dma_start3A_149 = arith.constant 0 : i32
      %dma_start3A_150 = arith.constant 0 : i32
      %dma_start3A_151 = tpu.memref_slice %dma_start3A_148[%dma_start3A_149, %dma_start3A_150] : memref<128x16xf32, #tpu.memory_space<vmem>> -> memref<32x16xf32, #tpu.memory_space<vmem>>
      %dma_start3A_152 = arith.constant 0 : i32
      %dma_start3A_153 = tpu.memref_slice %arg9[%add3A_82, %dma_start3A_152] : memref<25088x16xf32, #tpu.memory_space<vmem_shared>> -> memref<32x16xf32, #tpu.memory_space<vmem_shared>>
      %dma_start3A_154 = arith.constant 0 : i32
      %dma_start3A_155 = tpu.memref_slice %arg9[%add3A_82, %dma_start3A_154] : memref<25088x16xf32, #tpu.memory_space<vmem_shared>> -> memref<32x16xf32, #tpu.memory_space<vmem_shared>>
      %dma_start3A_156 = arith.constant 0 : i32
      %dma_start3A_157 = arith.constant 0 : i32
      %dma_start3A_158 = tpu.memref_slice %arg8[%run_scoped3A_83, %dma_start3A_156, %dma_start3A_157] : memref<2x128x16xf32, #tpu.memory_space<vmem>> -> memref<1x128x16xf32, #tpu.memory_space<vmem>>
      %dma_start3A_159 = tpu.memref_squeeze %dma_start3A_158 : memref<1x128x16xf32, #tpu.memory_space<vmem>> -> memref<128x16xf32, #tpu.memory_space<vmem>>
      %dma_start3A_160 = arith.constant 0 : i32
      %dma_start3A_161 = arith.constant 0 : i32
      %dma_start3A_162 = tpu.memref_slice %dma_start3A_159[%dma_start3A_160, %dma_start3A_161] : memref<128x16xf32, #tpu.memory_space<vmem>> -> memref<32x16xf32, #tpu.memory_space<vmem>>
      tpu.enqueue_dma source(%dma_start3A_162 : memref<32x16xf32, #tpu.memory_space<vmem>>) target(%dma_start3A_155 : memref<32x16xf32, #tpu.memory_space<vmem_shared>>) target_semaphore(%run_scoped3A_144 : memref<!tpu.dma_semaphore, #tpu.memory_space<semaphore_mem>>)
      %dma_wait3A_163 = arith.constant 0 : i32
      %dma_wait3A_164 = arith.constant 0 : i32
      %dma_wait3A_165 = tpu.memref_slice %arg8[%run_scoped3A_83, %dma_wait3A_163, %dma_wait3A_164] : memref<2x128x16xf32, #tpu.memory_space<vmem>> -> memref<1x128x16xf32, #tpu.memory_space<vmem>>
      %dma_wait3A_166 = tpu.memref_squeeze %dma_wait3A_165 : memref<1x128x16xf32, #tpu.memory_space<vmem>> -> memref<128x16xf32, #tpu.memory_space<vmem>>
      %dma_wait3A_167 = arith.constant 0 : i32
      %dma_wait3A_168 = arith.constant 0 : i32
      %dma_wait3A_169 = tpu.memref_slice %dma_wait3A_166[%dma_wait3A_167, %dma_wait3A_168] : memref<128x16xf32, #tpu.memory_space<vmem>> -> memref<32x16xf32, #tpu.memory_space<vmem>>
      %dma_wait3A_170 = arith.constant 0 : i32
      %dma_wait3A_171 = tpu.memref_slice %arg9[%add3A_82, %dma_wait3A_170] : memref<25088x16xf32, #tpu.memory_space<vmem_shared>> -> memref<32x16xf32, #tpu.memory_space<vmem_shared>>
      %dma_wait3A_172 = arith.constant 0 : i32
      %dma_wait3A_173 = tpu.memref_slice %arg9[%add3A_82, %dma_wait3A_172] : memref<25088x16xf32, #tpu.memory_space<vmem_shared>> -> memref<32x16xf32, #tpu.memory_space<vmem_shared>>
      %dma_wait3A_174 = arith.constant 0 : i32
      %dma_wait3A_175 = arith.constant 0 : i32
      %dma_wait3A_176 = tpu.memref_slice %arg8[%run_scoped3A_83, %dma_wait3A_174, %dma_wait3A_175] : memref<2x128x16xf32, #tpu.memory_space<vmem>> -> memref<1x128x16xf32, #tpu.memory_space<vmem>>
      %dma_wait3A_177 = tpu.memref_squeeze %dma_wait3A_176 : memref<1x128x16xf32, #tpu.memory_space<vmem>> -> memref<128x16xf32, #tpu.memory_space<vmem>>
      %dma_wait3A_178 = arith.constant 0 : i32
      %dma_wait3A_179 = arith.constant 0 : i32
      %dma_wait3A_180 = tpu.memref_slice %dma_wait3A_177[%dma_wait3A_178, %dma_wait3A_179] : memref<128x16xf32, #tpu.memory_space<vmem>> -> memref<32x16xf32, #tpu.memory_space<vmem>>
      tpu.wait_dma2 semaphore(%run_scoped3A_144 : memref<!tpu.dma_semaphore, #tpu.memory_space<semaphore_mem>>) src(%dma_wait3A_180 : memref<32x16xf32, #tpu.memory_space<vmem>>) dst(%dma_wait3A_173 : memref<32x16xf32, #tpu.memory_space<vmem_shared>>)
      tpu.yield
    }) : () -> ()
    %barrier3A_84 = arith.constant 0 : index
    tpu.barrier barrier_id(%barrier3A_84)
    %dma_start3A_85 = arith.constant 0 : i32
    %dma_start3A_86 = arith.constant 0 : i32
    %dma_start3A_87 = arith.constant 0 : i32
    %dma_start3A_88 = arith.constant 0 : i32
    %dma_start3A_89 = tpu.memref_slice %arg8[%dma_start3A_86, %dma_start3A_87, %dma_start3A_88] : memref<2x128x16xf32, #tpu.memory_space<vmem>> -> memref<1x128x16xf32, #tpu.memory_space<vmem>>
    %dma_start3A_90 = tpu.memref_squeeze %dma_start3A_89 : memref<1x128x16xf32, #tpu.memory_space<vmem>> -> memref<128x16xf32, #tpu.memory_space<vmem>>
    %dma_start3A_91 = arith.constant 0 : i32
    %dma_start3A_92 = tpu.memref_slice %arg6[%dma_start3A_85, %dma_start3A_91] : memref<392x128xi32, #tpu.memory_space<vmem>> -> memref<1x128xi32, #tpu.memory_space<vmem>>
    %dma_start3A_93 = tpu.memref_squeeze %dma_start3A_92 : memref<1x128xi32, #tpu.memory_space<vmem>> -> memref<128xi32, #tpu.memory_space<vmem>>
    %dma_start3A_94 = arith.constant 0 : i32
    %dma_start3A_95 = arith.constant 0 : i32
    %dma_start3A_96 = tpu.memref_slice %arg2[%dma_start3A_94, %dma_start3A_95] : memref<200192x16xf32, #tpu.memory_space<hbm>> -> memref<200192x16xf32, #tpu.memory_space<hbm>>
    tpu.enqueue_indirect_dma source(%dma_start3A_96 : memref<200192x16xf32, #tpu.memory_space<hbm>>) target(%dma_start3A_90 : memref<128x16xf32, #tpu.memory_space<vmem>>) offsets(%dma_start3A_93 : memref<128xi32, #tpu.memory_space<vmem>>) semaphore(%arg10 : memref<!tpu.dma_semaphore, #tpu.memory_space<semaphore_mem>>)
    %dma_start3A_97 = arith.constant 1 : i32
    %dma_start3A_98 = arith.constant 1 : i32
    %dma_start3A_99 = arith.constant 0 : i32
    %dma_start3A_100 = arith.constant 0 : i32
    %dma_start3A_101 = tpu.memref_slice %arg8[%dma_start3A_98, %dma_start3A_99, %dma_start3A_100] : memref<2x128x16xf32, #tpu.memory_space<vmem>> -> memref<1x128x16xf32, #tpu.memory_space<vmem>>
    %dma_start3A_102 = tpu.memref_squeeze %dma_start3A_101 : memref<1x128x16xf32, #tpu.memory_space<vmem>> -> memref<128x16xf32, #tpu.memory_space<vmem>>
    %dma_start3A_103 = arith.constant 0 : i32
    %dma_start3A_104 = tpu.memref_slice %arg6[%dma_start3A_97, %dma_start3A_103] : memref<392x128xi32, #tpu.memory_space<vmem>> -> memref<1x128xi32, #tpu.memory_space<vmem>>
    %dma_start3A_105 = tpu.memref_squeeze %dma_start3A_104 : memref<1x128xi32, #tpu.memory_space<vmem>> -> memref<128xi32, #tpu.memory_space<vmem>>
    %dma_start3A_106 = arith.constant 0 : i32
    %dma_start3A_107 = arith.constant 0 : i32
    %dma_start3A_108 = tpu.memref_slice %arg2[%dma_start3A_106, %dma_start3A_107] : memref<200192x16xf32, #tpu.memory_space<hbm>> -> memref<200192x16xf32, #tpu.memory_space<hbm>>
    tpu.enqueue_indirect_dma source(%dma_start3A_108 : memref<200192x16xf32, #tpu.memory_space<hbm>>) target(%dma_start3A_102 : memref<128x16xf32, #tpu.memory_space<vmem>>) offsets(%dma_start3A_105 : memref<128xi32, #tpu.memory_space<vmem>>) semaphore(%arg11 : memref<!tpu.dma_semaphore, #tpu.memory_space<semaphore_mem>>)
    %scan3A_109 = arith.constant 0 : i32
    %scan3A_110 = arith.constant 195 : i32
    %scan3A_111 = arith.addi %scan3A_109, %scan3A_110 : i32
    %scan3A_112 = arith.constant 1 : i32
    scf.for %scan3A_144 = %scan3A_109 to %scan3A_111 step %scan3A_112  : i32 {
      %mul3A_145 = arith.constant 2 : i32
      %mul3A_146 = arith.muli %scan3A_144, %mul3A_145 : i32
      %add3A_147 = arith.constant 0 : i32
      %add3A_148 = arith.addi %add3A_147, %mul3A_146 : i32
      %add3A_149 = arith.constant 0 : i32
      %add3A_150 = arith.addi %add3A_148, %add3A_149 : i32
      %dma_wait3A_151 = arith.constant 0 : i32
      %dma_wait3A_152 = arith.constant 0 : i32
      %dma_wait3A_153 = arith.constant 0 : i32
      %dma_wait3A_154 = tpu.memref_slice %arg8[%dma_wait3A_151, %dma_wait3A_152, %dma_wait3A_153] : memref<2x128x16xf32, #tpu.memory_space<vmem>> -> memref<1x128x16xf32, #tpu.memory_space<vmem>>
      %dma_wait3A_155 = tpu.memref_squeeze %dma_wait3A_154 : memref<1x128x16xf32, #tpu.memory_space<vmem>> -> memref<128x16xf32, #tpu.memory_space<vmem>>
      %dma_wait3A_156 = arith.constant 0 : i32
      %dma_wait3A_157 = tpu.memref_slice %arg6[%add3A_150, %dma_wait3A_156] : memref<392x128xi32, #tpu.memory_space<vmem>> -> memref<1x128xi32, #tpu.memory_space<vmem>>
      %dma_wait3A_158 = tpu.memref_squeeze %dma_wait3A_157 : memref<1x128xi32, #tpu.memory_space<vmem>> -> memref<128xi32, #tpu.memory_space<vmem>>
      %dma_wait3A_159 = arith.constant 0 : i32
      %dma_wait3A_160 = arith.constant 0 : i32
      %dma_wait3A_161 = tpu.memref_slice %arg2[%dma_wait3A_159, %dma_wait3A_160] : memref<200192x16xf32, #tpu.memory_space<hbm>> -> memref<200192x16xf32, #tpu.memory_space<hbm>>
      tpu.wait_indirect_dma semaphore(%arg10 : memref<!tpu.dma_semaphore, #tpu.memory_space<semaphore_mem>>) src(%dma_wait3A_161 : memref<200192x16xf32, #tpu.memory_space<hbm>>) dst(%dma_wait3A_155 : memref<128x16xf32, #tpu.memory_space<vmem>>)
      %add3A_162 = arith.constant 0 : i32
      %add3A_163 = arith.addi %add3A_148, %add3A_162 : i32
      %run_scoped3A_164 = arith.constant 0 : i32
      "tpu.region"() ({
        %run_scoped3A_211 = tpu.sem_alloc : memref<!tpu.dma_semaphore, #tpu.memory_space<semaphore_mem>>
        %dma_start3A_212 = arith.constant 0 : i32
        %dma_start3A_213 = arith.constant 0 : i32
        %dma_start3A_214 = tpu.memref_slice %arg8[%run_scoped3A_164, %dma_start3A_212, %dma_start3A_213] : memref<2x128x16xf32, #tpu.memory_space<vmem>> -> memref<1x128x16xf32, #tpu.memory_space<vmem>>
        %dma_start3A_215 = tpu.memref_squeeze %dma_start3A_214 : memref<1x128x16xf32, #tpu.memory_space<vmem>> -> memref<128x16xf32, #tpu.memory_space<vmem>>
        %dma_start3A_216 = arith.constant 0 : i32
        %dma_start3A_217 = tpu.memref_slice %arg7[%add3A_163, %dma_start3A_216] : memref<392x128xi32, #tpu.memory_space<vmem>> -> memref<1x128xi32, #tpu.memory_space<vmem>>
        %dma_start3A_218 = tpu.memref_squeeze %dma_start3A_217 : memref<1x128xi32, #tpu.memory_space<vmem>> -> memref<128xi32, #tpu.memory_space<vmem>>
        %dma_start3A_219 = arith.constant 0 : i32
        %dma_start3A_220 = arith.constant 0 : i32
        %dma_start3A_221 = tpu.memref_slice %arg9[%dma_start3A_219, %dma_start3A_220] : memref<25088x16xf32, #tpu.memory_space<vmem_shared>> -> memref<25088x16xf32, #tpu.memory_space<vmem_shared>>
        tpu.enqueue_indirect_dma source(%dma_start3A_215 : memref<128x16xf32, #tpu.memory_space<vmem>>) target(%dma_start3A_221 : memref<25088x16xf32, #tpu.memory_space<vmem_shared>>) offsets(%dma_start3A_218 : memref<128xi32, #tpu.memory_space<vmem>>) semaphore(%run_scoped3A_211 : memref<!tpu.dma_semaphore, #tpu.memory_space<semaphore_mem>>) {add = true}
        %dma_wait3A_222 = arith.constant 0 : i32
        %dma_wait3A_223 = arith.constant 0 : i32
        %dma_wait3A_224 = tpu.memref_slice %arg8[%run_scoped3A_164, %dma_wait3A_222, %dma_wait3A_223] : memref<2x128x16xf32, #tpu.memory_space<vmem>> -> memref<1x128x16xf32, #tpu.memory_space<vmem>>
        %dma_wait3A_225 = tpu.memref_squeeze %dma_wait3A_224 : memref<1x128x16xf32, #tpu.memory_space<vmem>> -> memref<128x16xf32, #tpu.memory_space<vmem>>
        %dma_wait3A_226 = arith.constant 0 : i32
        %dma_wait3A_227 = tpu.memref_slice %arg7[%add3A_163, %dma_wait3A_226] : memref<392x128xi32, #tpu.memory_space<vmem>> -> memref<1x128xi32, #tpu.memory_space<vmem>>
        %dma_wait3A_228 = tpu.memref_squeeze %dma_wait3A_227 : memref<1x128xi32, #tpu.memory_space<vmem>> -> memref<128xi32, #tpu.memory_space<vmem>>
        %dma_wait3A_229 = arith.constant 0 : i32
        %dma_wait3A_230 = arith.constant 0 : i32
        %dma_wait3A_231 = tpu.memref_slice %arg9[%dma_wait3A_229, %dma_wait3A_230] : memref<25088x16xf32, #tpu.memory_space<vmem_shared>> -> memref<25088x16xf32, #tpu.memory_space<vmem_shared>>
        tpu.wait_indirect_dma semaphore(%run_scoped3A_211 : memref<!tpu.dma_semaphore, #tpu.memory_space<semaphore_mem>>) src(%dma_wait3A_225 : memref<128x16xf32, #tpu.memory_space<vmem>>) dst(%dma_wait3A_231 : memref<25088x16xf32, #tpu.memory_space<vmem_shared>>)
        tpu.yield
      }) : () -> ()
      %add3A_165 = arith.constant 0 : i32
      %add3A_166 = arith.addi %add3A_148, %add3A_165 : i32
      %add3A_167 = arith.constant 2 : i32
      %add3A_168 = arith.addi %add3A_166, %add3A_167 : i32
      %dma_start3A_169 = arith.constant 0 : i32
      %dma_start3A_170 = arith.constant 0 : i32
      %dma_start3A_171 = arith.constant 0 : i32
      %dma_start3A_172 = tpu.memref_slice %arg8[%dma_start3A_169, %dma_start3A_170, %dma_start3A_171] : memref<2x128x16xf32, #tpu.memory_space<vmem>> -> memref<1x128x16xf32, #tpu.memory_space<vmem>>
      %dma_start3A_173 = tpu.memref_squeeze %dma_start3A_172 : memref<1x128x16xf32, #tpu.memory_space<vmem>> -> memref<128x16xf32, #tpu.memory_space<vmem>>
      %dma_start3A_174 = arith.constant 0 : i32
      %dma_start3A_175 = tpu.memref_slice %arg6[%add3A_168, %dma_start3A_174] : memref<392x128xi32, #tpu.memory_space<vmem>> -> memref<1x128xi32, #tpu.memory_space<vmem>>
      %dma_start3A_176 = tpu.memref_squeeze %dma_start3A_175 : memref<1x128xi32, #tpu.memory_space<vmem>> -> memref<128xi32, #tpu.memory_space<vmem>>
      %dma_start3A_177 = arith.constant 0 : i32
      %dma_start3A_178 = arith.constant 0 : i32
      %dma_start3A_179 = tpu.memref_slice %arg2[%dma_start3A_177, %dma_start3A_178] : memref<200192x16xf32, #tpu.memory_space<hbm>> -> memref<200192x16xf32, #tpu.memory_space<hbm>>
      tpu.enqueue_indirect_dma source(%dma_start3A_179 : memref<200192x16xf32, #tpu.memory_space<hbm>>) target(%dma_start3A_173 : memref<128x16xf32, #tpu.memory_space<vmem>>) offsets(%dma_start3A_176 : memref<128xi32, #tpu.memory_space<vmem>>) semaphore(%arg10 : memref<!tpu.dma_semaphore, #tpu.memory_space<semaphore_mem>>)
      %add3A_180 = arith.constant 1 : i32
      %add3A_181 = arith.addi %add3A_148, %add3A_180 : i32
      %dma_wait3A_182 = arith.constant 1 : i32
      %dma_wait3A_183 = arith.constant 0 : i32
      %dma_wait3A_184 = arith.constant 0 : i32
      %dma_wait3A_185 = tpu.memref_slice %arg8[%dma_wait3A_182, %dma_wait3A_183, %dma_wait3A_184] : memref<2x128x16xf32, #tpu.memory_space<vmem>> -> memref<1x128x16xf32, #tpu.memory_space<vmem>>
      %dma_wait3A_186 = tpu.memref_squeeze %dma_wait3A_185 : memref<1x128x16xf32, #tpu.memory_space<vmem>> -> memref<128x16xf32, #tpu.memory_space<vmem>>
      %dma_wait3A_187 = arith.constant 0 : i32
      %dma_wait3A_188 = tpu.memref_slice %arg6[%add3A_181, %dma_wait3A_187] : memref<392x128xi32, #tpu.memory_space<vmem>> -> memref<1x128xi32, #tpu.memory_space<vmem>>
      %dma_wait3A_189 = tpu.memref_squeeze %dma_wait3A_188 : memref<1x128xi32, #tpu.memory_space<vmem>> -> memref<128xi32, #tpu.memory_space<vmem>>
      %dma_wait3A_190 = arith.constant 0 : i32
      %dma_wait3A_191 = arith.constant 0 : i32
      %dma_wait3A_192 = tpu.memref_slice %arg2[%dma_wait3A_190, %dma_wait3A_191] : memref<200192x16xf32, #tpu.memory_space<hbm>> -> memref<200192x16xf32, #tpu.memory_space<hbm>>
      tpu.wait_indirect_dma semaphore(%arg11 : memref<!tpu.dma_semaphore, #tpu.memory_space<semaphore_mem>>) src(%dma_wait3A_192 : memref<200192x16xf32, #tpu.memory_space<hbm>>) dst(%dma_wait3A_186 : memref<128x16xf32, #tpu.memory_space<vmem>>)
      %add3A_193 = arith.constant 1 : i32
      %add3A_194 = arith.addi %add3A_148, %add3A_193 : i32
      %run_scoped3A_195 = arith.constant 1 : i32
      "tpu.region"() ({
        %run_scoped3A_211 = tpu.sem_alloc : memref<!tpu.dma_semaphore, #tpu.memory_space<semaphore_mem>>
        %dma_start3A_212 = arith.constant 0 : i32
        %dma_start3A_213 = arith.constant 0 : i32
        %dma_start3A_214 = tpu.memref_slice %arg8[%run_scoped3A_195, %dma_start3A_212, %dma_start3A_213] : memref<2x128x16xf32, #tpu.memory_space<vmem>> -> memref<1x128x16xf32, #tpu.memory_space<vmem>>
        %dma_start3A_215 = tpu.memref_squeeze %dma_start3A_214 : memref<1x128x16xf32, #tpu.memory_space<vmem>> -> memref<128x16xf32, #tpu.memory_space<vmem>>
        %dma_start3A_216 = arith.constant 0 : i32
        %dma_start3A_217 = tpu.memref_slice %arg7[%add3A_194, %dma_start3A_216] : memref<392x128xi32, #tpu.memory_space<vmem>> -> memref<1x128xi32, #tpu.memory_space<vmem>>
        %dma_start3A_218 = tpu.memref_squeeze %dma_start3A_217 : memref<1x128xi32, #tpu.memory_space<vmem>> -> memref<128xi32, #tpu.memory_space<vmem>>
        %dma_start3A_219 = arith.constant 0 : i32
        %dma_start3A_220 = arith.constant 0 : i32
        %dma_start3A_221 = tpu.memref_slice %arg9[%dma_start3A_219, %dma_start3A_220] : memref<25088x16xf32, #tpu.memory_space<vmem_shared>> -> memref<25088x16xf32, #tpu.memory_space<vmem_shared>>
        tpu.enqueue_indirect_dma source(%dma_start3A_215 : memref<128x16xf32, #tpu.memory_space<vmem>>) target(%dma_start3A_221 : memref<25088x16xf32, #tpu.memory_space<vmem_shared>>) offsets(%dma_start3A_218 : memref<128xi32, #tpu.memory_space<vmem>>) semaphore(%run_scoped3A_211 : memref<!tpu.dma_semaphore, #tpu.memory_space<semaphore_mem>>) {add = true}
        %dma_wait3A_222 = arith.constant 0 : i32
        %dma_wait3A_223 = arith.constant 0 : i32
        %dma_wait3A_224 = tpu.memref_slice %arg8[%run_scoped3A_195, %dma_wait3A_222, %dma_wait3A_223] : memref<2x128x16xf32, #tpu.memory_space<vmem>> -> memref<1x128x16xf32, #tpu.memory_space<vmem>>
        %dma_wait3A_225 = tpu.memref_squeeze %dma_wait3A_224 : memref<1x128x16xf32, #tpu.memory_space<vmem>> -> memref<128x16xf32, #tpu.memory_space<vmem>>
        %dma_wait3A_226 = arith.constant 0 : i32
        %dma_wait3A_227 = tpu.memref_slice %arg7[%add3A_194, %dma_wait3A_226] : memref<392x128xi32, #tpu.memory_space<vmem>> -> memref<1x128xi32, #tpu.memory_space<vmem>>
        %dma_wait3A_228 = tpu.memref_squeeze %dma_wait3A_227 : memref<1x128xi32, #tpu.memory_space<vmem>> -> memref<128xi32, #tpu.memory_space<vmem>>
        %dma_wait3A_229 = arith.constant 0 : i32
        %dma_wait3A_230 = arith.constant 0 : i32
        %dma_wait3A_231 = tpu.memref_slice %arg9[%dma_wait3A_229, %dma_wait3A_230] : memref<25088x16xf32, #tpu.memory_space<vmem_shared>> -> memref<25088x16xf32, #tpu.memory_space<vmem_shared>>
        tpu.wait_indirect_dma semaphore(%run_scoped3A_211 : memref<!tpu.dma_semaphore, #tpu.memory_space<semaphore_mem>>) src(%dma_wait3A_225 : memref<128x16xf32, #tpu.memory_space<vmem>>) dst(%dma_wait3A_231 : memref<25088x16xf32, #tpu.memory_space<vmem_shared>>)
        tpu.yield
      }) : () -> ()
      %add3A_196 = arith.constant 1 : i32
      %add3A_197 = arith.addi %add3A_148, %add3A_196 : i32
      %add3A_198 = arith.constant 2 : i32
      %add3A_199 = arith.addi %add3A_197, %add3A_198 : i32
      %dma_start3A_200 = arith.constant 1 : i32
      %dma_start3A_201 = arith.constant 0 : i32
      %dma_start3A_202 = arith.constant 0 : i32
      %dma_start3A_203 = tpu.memref_slice %arg8[%dma_start3A_200, %dma_start3A_201, %dma_start3A_202] : memref<2x128x16xf32, #tpu.memory_space<vmem>> -> memref<1x128x16xf32, #tpu.memory_space<vmem>>
      %dma_start3A_204 = tpu.memref_squeeze %dma_start3A_203 : memref<1x128x16xf32, #tpu.memory_space<vmem>> -> memref<128x16xf32, #tpu.memory_space<vmem>>
      %dma_start3A_205 = arith.constant 0 : i32
      %dma_start3A_206 = tpu.memref_slice %arg6[%add3A_199, %dma_start3A_205] : memref<392x128xi32, #tpu.memory_space<vmem>> -> memref<1x128xi32, #tpu.memory_space<vmem>>
      %dma_start3A_207 = tpu.memref_squeeze %dma_start3A_206 : memref<1x128xi32, #tpu.memory_space<vmem>> -> memref<128xi32, #tpu.memory_space<vmem>>
      %dma_start3A_208 = arith.constant 0 : i32
      %dma_start3A_209 = arith.constant 0 : i32
      %dma_start3A_210 = tpu.memref_slice %arg2[%dma_start3A_208, %dma_start3A_209] : memref<200192x16xf32, #tpu.memory_space<hbm>> -> memref<200192x16xf32, #tpu.memory_space<hbm>>
      tpu.enqueue_indirect_dma source(%dma_start3A_210 : memref<200192x16xf32, #tpu.memory_space<hbm>>) target(%dma_start3A_204 : memref<128x16xf32, #tpu.memory_space<vmem>>) offsets(%dma_start3A_207 : memref<128xi32, #tpu.memory_space<vmem>>) semaphore(%arg11 : memref<!tpu.dma_semaphore, #tpu.memory_space<semaphore_mem>>)
    }
    %scan3A_113 = arith.constant 195 : i32
    %dma_wait3A_114 = arith.constant 390 : i32
    %dma_wait3A_115 = arith.constant 0 : i32
    %dma_wait3A_116 = arith.constant 0 : i32
    %dma_wait3A_117 = arith.constant 0 : i32
    %dma_wait3A_118 = tpu.memref_slice %arg8[%dma_wait3A_115, %dma_wait3A_116, %dma_wait3A_117] : memref<2x128x16xf32, #tpu.memory_space<vmem>> -> memref<1x128x16xf32, #tpu.memory_space<vmem>>
    %dma_wait3A_119 = tpu.memref_squeeze %dma_wait3A_118 : memref<1x128x16xf32, #tpu.memory_space<vmem>> -> memref<128x16xf32, #tpu.memory_space<vmem>>
    %dma_wait3A_120 = arith.constant 0 : i32
    %dma_wait3A_121 = tpu.memref_slice %arg6[%dma_wait3A_114, %dma_wait3A_120] : memref<392x128xi32, #tpu.memory_space<vmem>> -> memref<1x128xi32, #tpu.memory_space<vmem>>
    %dma_wait3A_122 = tpu.memref_squeeze %dma_wait3A_121 : memref<1x128xi32, #tpu.memory_space<vmem>> -> memref<128xi32, #tpu.memory_space<vmem>>
    %dma_wait3A_123 = arith.constant 0 : i32
    %dma_wait3A_124 = arith.constant 0 : i32
    %dma_wait3A_125 = tpu.memref_slice %arg2[%dma_wait3A_123, %dma_wait3A_124] : memref<200192x16xf32, #tpu.memory_space<hbm>> -> memref<200192x16xf32, #tpu.memory_space<hbm>>
    tpu.wait_indirect_dma semaphore(%arg10 : memref<!tpu.dma_semaphore, #tpu.memory_space<semaphore_mem>>) src(%dma_wait3A_125 : memref<200192x16xf32, #tpu.memory_space<hbm>>) dst(%dma_wait3A_119 : memref<128x16xf32, #tpu.memory_space<vmem>>)
    %run_scoped3A_126 = arith.constant 0 : i32
    %run_scoped3A_127 = arith.constant 390 : i32
    "tpu.region"() ({
      %run_scoped3A_144 = tpu.sem_alloc : memref<!tpu.dma_semaphore, #tpu.memory_space<semaphore_mem>>
      %dma_start3A_145 = arith.constant 0 : i32
      %dma_start3A_146 = arith.constant 0 : i32
      %dma_start3A_147 = tpu.memref_slice %arg8[%run_scoped3A_126, %dma_start3A_145, %dma_start3A_146] : memref<2x128x16xf32, #tpu.memory_space<vmem>> -> memref<1x128x16xf32, #tpu.memory_space<vmem>>
      %dma_start3A_148 = tpu.memref_squeeze %dma_start3A_147 : memref<1x128x16xf32, #tpu.memory_space<vmem>> -> memref<128x16xf32, #tpu.memory_space<vmem>>
      %dma_start3A_149 = arith.constant 0 : i32
      %dma_start3A_150 = tpu.memref_slice %arg7[%run_scoped3A_127, %dma_start3A_149] : memref<392x128xi32, #tpu.memory_space<vmem>> -> memref<1x128xi32, #tpu.memory_space<vmem>>
      %dma_start3A_151 = tpu.memref_squeeze %dma_start3A_150 : memref<1x128xi32, #tpu.memory_space<vmem>> -> memref<128xi32, #tpu.memory_space<vmem>>
      %dma_start3A_152 = arith.constant 0 : i32
      %dma_start3A_153 = arith.constant 0 : i32
      %dma_start3A_154 = tpu.memref_slice %arg9[%dma_start3A_152, %dma_start3A_153] : memref<25088x16xf32, #tpu.memory_space<vmem_shared>> -> memref<25088x16xf32, #tpu.memory_space<vmem_shared>>
      tpu.enqueue_indirect_dma source(%dma_start3A_148 : memref<128x16xf32, #tpu.memory_space<vmem>>) target(%dma_start3A_154 : memref<25088x16xf32, #tpu.memory_space<vmem_shared>>) offsets(%dma_start3A_151 : memref<128xi32, #tpu.memory_space<vmem>>) semaphore(%run_scoped3A_144 : memref<!tpu.dma_semaphore, #tpu.memory_space<semaphore_mem>>) {add = true}
      %dma_wait3A_155 = arith.constant 0 : i32
      %dma_wait3A_156 = arith.constant 0 : i32
      %dma_wait3A_157 = tpu.memref_slice %arg8[%run_scoped3A_126, %dma_wait3A_155, %dma_wait3A_156] : memref<2x128x16xf32, #tpu.memory_space<vmem>> -> memref<1x128x16xf32, #tpu.memory_space<vmem>>
      %dma_wait3A_158 = tpu.memref_squeeze %dma_wait3A_157 : memref<1x128x16xf32, #tpu.memory_space<vmem>> -> memref<128x16xf32, #tpu.memory_space<vmem>>
      %dma_wait3A_159 = arith.constant 0 : i32
      %dma_wait3A_160 = tpu.memref_slice %arg7[%run_scoped3A_127, %dma_wait3A_159] : memref<392x128xi32, #tpu.memory_space<vmem>> -> memref<1x128xi32, #tpu.memory_space<vmem>>
      %dma_wait3A_161 = tpu.memref_squeeze %dma_wait3A_160 : memref<1x128xi32, #tpu.memory_space<vmem>> -> memref<128xi32, #tpu.memory_space<vmem>>
      %dma_wait3A_162 = arith.constant 0 : i32
      %dma_wait3A_163 = arith.constant 0 : i32
      %dma_wait3A_164 = tpu.memref_slice %arg9[%dma_wait3A_162, %dma_wait3A_163] : memref<25088x16xf32, #tpu.memory_space<vmem_shared>> -> memref<25088x16xf32, #tpu.memory_space<vmem_shared>>
      tpu.wait_indirect_dma semaphore(%run_scoped3A_144 : memref<!tpu.dma_semaphore, #tpu.memory_space<semaphore_mem>>) src(%dma_wait3A_158 : memref<128x16xf32, #tpu.memory_space<vmem>>) dst(%dma_wait3A_164 : memref<25088x16xf32, #tpu.memory_space<vmem_shared>>)
      tpu.yield
    }) : () -> ()
    %dma_wait3A_128 = arith.constant 391 : i32
    %dma_wait3A_129 = arith.constant 1 : i32
    %dma_wait3A_130 = arith.constant 0 : i32
    %dma_wait3A_131 = arith.constant 0 : i32
    %dma_wait3A_132 = tpu.memref_slice %arg8[%dma_wait3A_129, %dma_wait3A_130, %dma_wait3A_131] : memref<2x128x16xf32, #tpu.memory_space<vmem>> -> memref<1x128x16xf32, #tpu.memory_space<vmem>>
    %dma_wait3A_133 = tpu.memref_squeeze %dma_wait3A_132 : memref<1x128x16xf32, #tpu.memory_space<vmem>> -> memref<128x16xf32, #tpu.memory_space<vmem>>
    %dma_wait3A_134 = arith.constant 0 : i32
    %dma_wait3A_135 = tpu.memref_slice %arg6[%dma_wait3A_128, %dma_wait3A_134] : memref<392x128xi32, #tpu.memory_space<vmem>> -> memref<1x128xi32, #tpu.memory_space<vmem>>
    %dma_wait3A_136 = tpu.memref_squeeze %dma_wait3A_135 : memref<1x128xi32, #tpu.memory_space<vmem>> -> memref<128xi32, #tpu.memory_space<vmem>>
    %dma_wait3A_137 = arith.constant 0 : i32
    %dma_wait3A_138 = arith.constant 0 : i32
    %dma_wait3A_139 = tpu.memref_slice %arg2[%dma_wait3A_137, %dma_wait3A_138] : memref<200192x16xf32, #tpu.memory_space<hbm>> -> memref<200192x16xf32, #tpu.memory_space<hbm>>
    tpu.wait_indirect_dma semaphore(%arg11 : memref<!tpu.dma_semaphore, #tpu.memory_space<semaphore_mem>>) src(%dma_wait3A_139 : memref<200192x16xf32, #tpu.memory_space<hbm>>) dst(%dma_wait3A_133 : memref<128x16xf32, #tpu.memory_space<vmem>>)
    %run_scoped3A_140 = arith.constant 1 : i32
    %run_scoped3A_141 = arith.constant 391 : i32
    "tpu.region"() ({
      %run_scoped3A_144 = tpu.sem_alloc : memref<!tpu.dma_semaphore, #tpu.memory_space<semaphore_mem>>
      %dma_start3A_145 = arith.constant 0 : i32
      %dma_start3A_146 = arith.constant 0 : i32
      %dma_start3A_147 = tpu.memref_slice %arg8[%run_scoped3A_140, %dma_start3A_145, %dma_start3A_146] : memref<2x128x16xf32, #tpu.memory_space<vmem>> -> memref<1x128x16xf32, #tpu.memory_space<vmem>>
      %dma_start3A_148 = tpu.memref_squeeze %dma_start3A_147 : memref<1x128x16xf32, #tpu.memory_space<vmem>> -> memref<128x16xf32, #tpu.memory_space<vmem>>
      %dma_start3A_149 = arith.constant 0 : i32
      %dma_start3A_150 = tpu.memref_slice %arg7[%run_scoped3A_141, %dma_start3A_149] : memref<392x128xi32, #tpu.memory_space<vmem>> -> memref<1x128xi32, #tpu.memory_space<vmem>>
      %dma_start3A_151 = tpu.memref_squeeze %dma_start3A_150 : memref<1x128xi32, #tpu.memory_space<vmem>> -> memref<128xi32, #tpu.memory_space<vmem>>
      %dma_start3A_152 = arith.constant 0 : i32
      %dma_start3A_153 = arith.constant 0 : i32
      %dma_start3A_154 = tpu.memref_slice %arg9[%dma_start3A_152, %dma_start3A_153] : memref<25088x16xf32, #tpu.memory_space<vmem_shared>> -> memref<25088x16xf32, #tpu.memory_space<vmem_shared>>
      tpu.enqueue_indirect_dma source(%dma_start3A_148 : memref<128x16xf32, #tpu.memory_space<vmem>>) target(%dma_start3A_154 : memref<25088x16xf32, #tpu.memory_space<vmem_shared>>) offsets(%dma_start3A_151 : memref<128xi32, #tpu.memory_space<vmem>>) semaphore(%run_scoped3A_144 : memref<!tpu.dma_semaphore, #tpu.memory_space<semaphore_mem>>) {add = true}
      %dma_wait3A_155 = arith.constant 0 : i32
      %dma_wait3A_156 = arith.constant 0 : i32
      %dma_wait3A_157 = tpu.memref_slice %arg8[%run_scoped3A_140, %dma_wait3A_155, %dma_wait3A_156] : memref<2x128x16xf32, #tpu.memory_space<vmem>> -> memref<1x128x16xf32, #tpu.memory_space<vmem>>
      %dma_wait3A_158 = tpu.memref_squeeze %dma_wait3A_157 : memref<1x128x16xf32, #tpu.memory_space<vmem>> -> memref<128x16xf32, #tpu.memory_space<vmem>>
      %dma_wait3A_159 = arith.constant 0 : i32
      %dma_wait3A_160 = tpu.memref_slice %arg7[%run_scoped3A_141, %dma_wait3A_159] : memref<392x128xi32, #tpu.memory_space<vmem>> -> memref<1x128xi32, #tpu.memory_space<vmem>>
      %dma_wait3A_161 = tpu.memref_squeeze %dma_wait3A_160 : memref<1x128xi32, #tpu.memory_space<vmem>> -> memref<128xi32, #tpu.memory_space<vmem>>
      %dma_wait3A_162 = arith.constant 0 : i32
      %dma_wait3A_163 = arith.constant 0 : i32
      %dma_wait3A_164 = tpu.memref_slice %arg9[%dma_wait3A_162, %dma_wait3A_163] : memref<25088x16xf32, #tpu.memory_space<vmem_shared>> -> memref<25088x16xf32, #tpu.memory_space<vmem_shared>>
      tpu.wait_indirect_dma semaphore(%run_scoped3A_144 : memref<!tpu.dma_semaphore, #tpu.memory_space<semaphore_mem>>) src(%dma_wait3A_158 : memref<128x16xf32, #tpu.memory_space<vmem>>) dst(%dma_wait3A_164 : memref<25088x16xf32, #tpu.memory_space<vmem_shared>>)
      tpu.yield
    }) : () -> ()
    %barrier3A_142 = arith.constant 0 : index
    tpu.barrier barrier_id(%barrier3A_142)
    %run_scoped3A_143 = arith.constant 1 : i32
    "tpu.region"() ({
      %run_scoped3A_144 = tpu.sem_alloc : memref<!tpu.dma_semaphore, #tpu.memory_space<semaphore_mem>>
      %dma_start3A_145 = arith.constant 0 : i32
      %dma_start3A_146 = arith.constant 0 : i32
      %dma_start3A_147 = arith.constant 0 : i32
      %dma_start3A_148 = tpu.memref_slice %arg5[%run_scoped3A_143, %dma_start3A_145, %dma_start3A_146, %dma_start3A_147] : memref<2x2x25088x16xf32, #tpu.memory_space<hbm>> -> memref<1x2x25088x16xf32, #tpu.memory_space<hbm>>
      %dma_start3A_149 = tpu.memref_squeeze %dma_start3A_148 : memref<1x2x25088x16xf32, #tpu.memory_space<hbm>> -> memref<2x25088x16xf32, #tpu.memory_space<hbm>>
      %dma_start3A_150 = arith.constant 0 : i32
      %dma_start3A_151 = arith.constant 0 : i32
      %dma_start3A_152 = tpu.memref_slice %dma_start3A_149[%arg0, %dma_start3A_150, %dma_start3A_151] : memref<2x25088x16xf32, #tpu.memory_space<hbm>> -> memref<1x25088x16xf32, #tpu.memory_space<hbm>>
      %dma_start3A_153 = tpu.memref_squeeze %dma_start3A_152 : memref<1x25088x16xf32, #tpu.memory_space<hbm>> -> memref<25088x16xf32, #tpu.memory_space<hbm>>
      %dma_start3A_154 = arith.constant 0 : i32
      %dma_start3A_155 = tpu.memref_slice %dma_start3A_153[%mul3A_0, %dma_start3A_154] : memref<25088x16xf32, #tpu.memory_space<hbm>> -> memref<1568x16xf32, #tpu.memory_space<hbm>>
      %dma_start3A_156 = arith.constant 0 : i32
      %dma_start3A_157 = tpu.memref_slice %arg9[%mul3A_0, %dma_start3A_156] : memref<25088x16xf32, #tpu.memory_space<vmem_shared>> -> memref<1568x16xf32, #tpu.memory_space<vmem_shared>>
      tpu.enqueue_dma source(%dma_start3A_157 : memref<1568x16xf32, #tpu.memory_space<vmem_shared>>) target(%dma_start3A_155 : memref<1568x16xf32, #tpu.memory_space<hbm>>) target_semaphore(%run_scoped3A_144 : memref<!tpu.dma_semaphore, #tpu.memory_space<semaphore_mem>>)
      %dma_wait3A_158 = arith.constant 0 : i32
      %dma_wait3A_159 = arith.constant 0 : i32
      %dma_wait3A_160 = arith.constant 0 : i32
      %dma_wait3A_161 = tpu.memref_slice %arg5[%run_scoped3A_143, %dma_wait3A_158, %dma_wait3A_159, %dma_wait3A_160] : memref<2x2x25088x16xf32, #tpu.memory_space<hbm>> -> memref<1x2x25088x16xf32, #tpu.memory_space<hbm>>
      %dma_wait3A_162 = tpu.memref_squeeze %dma_wait3A_161 : memref<1x2x25088x16xf32, #tpu.memory_space<hbm>> -> memref<2x25088x16xf32, #tpu.memory_space<hbm>>
      %dma_wait3A_163 = arith.constant 0 : i32
      %dma_wait3A_164 = arith.constant 0 : i32
      %dma_wait3A_165 = tpu.memref_slice %dma_wait3A_162[%arg0, %dma_wait3A_163, %dma_wait3A_164] : memref<2x25088x16xf32, #tpu.memory_space<hbm>> -> memref<1x25088x16xf32, #tpu.memory_space<hbm>>
      %dma_wait3A_166 = tpu.memref_squeeze %dma_wait3A_165 : memref<1x25088x16xf32, #tpu.memory_space<hbm>> -> memref<25088x16xf32, #tpu.memory_space<hbm>>
      %dma_wait3A_167 = arith.constant 0 : i32
      %dma_wait3A_168 = tpu.memref_slice %dma_wait3A_166[%mul3A_0, %dma_wait3A_167] : memref<25088x16xf32, #tpu.memory_space<hbm>> -> memref<1568x16xf32, #tpu.memory_space<hbm>>
      %dma_wait3A_169 = arith.constant 0 : i32
      %dma_wait3A_170 = tpu.memref_slice %arg9[%mul3A_0, %dma_wait3A_169] : memref<25088x16xf32, #tpu.memory_space<vmem_shared>> -> memref<1568x16xf32, #tpu.memory_space<vmem_shared>>
      tpu.wait_dma2 semaphore(%run_scoped3A_144 : memref<!tpu.dma_semaphore, #tpu.memory_space<semaphore_mem>>) src(%dma_wait3A_170 : memref<1568x16xf32, #tpu.memory_space<vmem_shared>>) dst(%dma_wait3A_168 : memref<1568x16xf32, #tpu.memory_space<hbm>>)
      tpu.yield
    }) : () -> ()
    return
  }
}

module attributes {stable_mosaic.version = 14 : i64} {
  func.func @_dis_body(%arg0: i32, %arg1: memref<368x128xf32, #tpu.memory_space<vmem>>, %arg2: memref<368x128xf32, #tpu.memory_space<vmem>>) attributes {dimension_semantics = [#tpu.dimension_semantics<arbitrary>], iteration_bounds = array<i64: 17>, scalar_prefetch = 0 : i64, scratch_operands = 0 : i64, tpu.core_type = #tpu.core_type<tc>, window_params = [{transform_indices = @transform_0, window_bounds = array<i64: 368, 128>}, {transform_indices = @transform_1, window_bounds = array<i64: 368, 128>}]} {
    %get3A = arith.constant 0 : index
    %get3A_0 = arith.constant 0 : index
    %get3A_1 = vector.load %arg1[%get3A, %get3A_0] : memref<368x128xf32, #tpu.memory_space<vmem>>, vector<368x128xf32>
    %gt3A = arith.constant 0.000000e+00 : f32
    %gt3A_2 = vector.broadcast %gt3A : f32 to vector<368x128xf32>
    %gt3A_3 = arith.cmpf ogt, %get3A_1, %gt3A_2 : vector<368x128xf32>
    %rsqrt3A = math.rsqrt %get3A_1 : vector<368x128xf32>
    %jit3A = arith.constant 0.000000e+00 : f32
    %broadcast_in_dim3A = vector.broadcast %jit3A : f32 to vector<368x128xf32>
    %select_n3A = arith.select %gt3A_3, %rsqrt3A, %broadcast_in_dim3A : vector<368x128xi1>, vector<368x128xf32>
    %swap3A = arith.constant 0 : index
    %swap3A_4 = arith.constant 0 : index
    %swap3A_5 = vector.load %arg2[%swap3A, %swap3A_4] : memref<368x128xf32, #tpu.memory_space<vmem>>, vector<368x128xf32>
    tpu.vector_store %arg2[%swap3A, %swap3A_4], %select_n3A {strides = array<i32>} : memref<368x128xf32, #tpu.memory_space<vmem>>, vector<368x128xf32>,
    return
  }
  func.func @transform_0(%arg0: i32) -> (i32, i32) {
    %c0_i32 = arith.constant 0 : i32
    %c0_i32_0 = arith.constant 0 : i32
    return %arg0, %c0_i32 : i32, i32
  }
  func.func @transform_1(%arg0: i32) -> (i32, i32) {
    %c0_i32 = arith.constant 0 : i32
    %c0_i32_0 = arith.constant 0 : i32
    return %arg0, %c0_i32 : i32, i32
  }
}

module attributes {stable_mosaic.version = 14 : i64} {
  func.func @_step_body(%arg0: i32, %arg1: memref<2x368x128xf32, #tpu.memory_space<vmem>>, %arg2: memref<2x368x128xf32, #tpu.memory_space<vmem>>, %arg3: memref<368x128xf32, #tpu.memory_space<vmem>>, %arg4: memref<4x368x128xf32, #tpu.memory_space<vmem>>, %arg5: memref<4x368x128xf32, #tpu.memory_space<vmem>>) attributes {dimension_semantics = [#tpu.dimension_semantics<arbitrary>], iteration_bounds = array<i64: 17>, scalar_prefetch = 0 : i64, scratch_operands = 0 : i64, tpu.core_type = #tpu.core_type<tc>, window_params = [{transform_indices = @transform_0, window_bounds = array<i64: 2, 368, 128>}, {transform_indices = @transform_1, window_bounds = array<i64: 2, 368, 128>}, {transform_indices = @transform_2, window_bounds = array<i64: 368, 128>}, {transform_indices = @transform_3, window_bounds = array<i64: 4, 368, 128>}, {transform_indices = @transform_4, window_bounds = array<i64: 4, 368, 128>}]} {
    %get3A = arith.constant 0 : index
    %get3A_0 = arith.constant 0 : index
    %get3A_1 = vector.load %arg3[%get3A, %get3A_0] : memref<368x128xf32, #tpu.memory_space<vmem>>, vector<368x128xf32>
    %broadcast_in_dim3A = vector.shape_cast %get3A_1 : vector<368x128xf32> to vector<1x368x128xf32>
    %get3A_2 = arith.constant 0 : index
    %get3A_3 = arith.constant 0 : index
    %get3A_4 = arith.constant 0 : index
    %get3A_5 = vector.load %arg1[%get3A_2, %get3A_3, %get3A_4] : memref<2x368x128xf32, #tpu.memory_space<vmem>>, vector<2x368x128xf32>
    %get3A_6 = arith.constant 0 : index
    %get3A_7 = arith.constant 0 : index
    %get3A_8 = arith.constant 0 : index
    %get3A_9 = vector.load %arg2[%get3A_6, %get3A_7, %get3A_8] : memref<2x368x128xf32, #tpu.memory_space<vmem>>, vector<2x368x128xf32>
    %concatenate3A = tpu.concatenate %get3A_5, %get3A_9 in 0 : vector<2x368x128xf32>, vector<2x368x128xf32> -> vector<4x368x128xf32>
    %swap3A = arith.constant 0 : index
    %swap3A_10 = arith.constant 0 : index
    %swap3A_11 = arith.constant 0 : index
    %swap3A_12 = vector.load %arg4[%swap3A, %swap3A_10, %swap3A_11] : memref<4x368x128xf32, #tpu.memory_space<vmem>>, vector<4x368x128xf32>
    tpu.vector_store %arg4[%swap3A, %swap3A_10, %swap3A_11], %concatenate3A {strides = array<i32>} : memref<4x368x128xf32, #tpu.memory_space<vmem>>, vector<4x368x128xf32>,
    %mul3A = vector.broadcast %broadcast_in_dim3A : vector<1x368x128xf32> to vector<4x368x128xf32>
    %mul3A_13 = arith.mulf %concatenate3A, %mul3A : vector<4x368x128xf32>
    %swap3A_14 = arith.constant 0 : index
    %swap3A_15 = arith.constant 0 : index
    %swap3A_16 = arith.constant 0 : index
    %swap3A_17 = vector.load %arg5[%swap3A_14, %swap3A_15, %swap3A_16] : memref<4x368x128xf32, #tpu.memory_space<vmem>>, vector<4x368x128xf32>
    tpu.vector_store %arg5[%swap3A_14, %swap3A_15, %swap3A_16], %mul3A_13 {strides = array<i32>} : memref<4x368x128xf32, #tpu.memory_space<vmem>>, vector<4x368x128xf32>,
    return
  }
  func.func @transform_0(%arg0: i32) -> (i32, i32, i32) {
    %c0_i32 = arith.constant 0 : i32
    %c0_i32_0 = arith.constant 0 : i32
    %c0_i32_1 = arith.constant 0 : i32
    return %c0_i32, %arg0, %c0_i32_0 : i32, i32, i32
  }
  func.func @transform_1(%arg0: i32) -> (i32, i32, i32) {
    %c0_i32 = arith.constant 0 : i32
    %c0_i32_0 = arith.constant 0 : i32
    %c0_i32_1 = arith.constant 0 : i32
    return %c0_i32, %arg0, %c0_i32_0 : i32, i32, i32
  }
  func.func @transform_2(%arg0: i32) -> (i32, i32) {
    %c0_i32 = arith.constant 0 : i32
    %c0_i32_0 = arith.constant 0 : i32
    return %arg0, %c0_i32 : i32, i32
  }
  func.func @transform_3(%arg0: i32) -> (i32, i32, i32) {
    %c0_i32 = arith.constant 0 : i32
    %c0_i32_0 = arith.constant 0 : i32
    %c0_i32_1 = arith.constant 0 : i32
    return %c0_i32, %arg0, %c0_i32_0 : i32, i32, i32
  }
  func.func @transform_4(%arg0: i32) -> (i32, i32, i32) {
    %c0_i32 = arith.constant 0 : i32
    %c0_i32_0 = arith.constant 0 : i32
    %c0_i32_1 = arith.constant 0 : i32
    return %c0_i32, %arg0, %c0_i32_0 : i32, i32, i32
  }
}

module attributes {stable_mosaic.version = 14 : i64} {
  func.func @_step_body(%arg0: i32, %arg1: memref<2x368x128xf32, #tpu.memory_space<vmem>>, %arg2: memref<2x368x128xf32, #tpu.memory_space<vmem>>, %arg3: memref<368x128xf32, #tpu.memory_space<vmem>>, %arg4: memref<4x368x128xf32, #tpu.memory_space<vmem>>, %arg5: memref<4x368x128xf32, #tpu.memory_space<vmem>>, %arg6: memref<4x368x128xf32, #tpu.memory_space<vmem>>) attributes {dimension_semantics = [#tpu.dimension_semantics<arbitrary>], iteration_bounds = array<i64: 17>, scalar_prefetch = 0 : i64, scratch_operands = 0 : i64, tpu.core_type = #tpu.core_type<tc>, window_params = [{transform_indices = @transform_0, window_bounds = array<i64: 2, 368, 128>}, {transform_indices = @transform_1, window_bounds = array<i64: 2, 368, 128>}, {transform_indices = @transform_2, window_bounds = array<i64: 368, 128>}, {transform_indices = @transform_3, window_bounds = array<i64: 4, 368, 128>}, {transform_indices = @transform_4, window_bounds = array<i64: 4, 368, 128>}, {transform_indices = @transform_5, window_bounds = array<i64: 4, 368, 128>}]} {
    %get3A = arith.constant 0 : index
    %get3A_0 = arith.constant 0 : index
    %get3A_1 = vector.load %arg3[%get3A, %get3A_0] : memref<368x128xf32, #tpu.memory_space<vmem>>, vector<368x128xf32>
    %broadcast_in_dim3A = vector.shape_cast %get3A_1 : vector<368x128xf32> to vector<1x368x128xf32>
    %get3A_2 = arith.constant 0 : index
    %get3A_3 = arith.constant 0 : index
    %get3A_4 = arith.constant 0 : index
    %get3A_5 = vector.load %arg1[%get3A_2, %get3A_3, %get3A_4] : memref<2x368x128xf32, #tpu.memory_space<vmem>>, vector<2x368x128xf32>
    %get3A_6 = arith.constant 0 : index
    %get3A_7 = arith.constant 0 : index
    %get3A_8 = arith.constant 0 : index
    %get3A_9 = vector.load %arg2[%get3A_6, %get3A_7, %get3A_8] : memref<2x368x128xf32, #tpu.memory_space<vmem>>, vector<2x368x128xf32>
    %concatenate3A = tpu.concatenate %get3A_5, %get3A_9 in 0 : vector<2x368x128xf32>, vector<2x368x128xf32> -> vector<4x368x128xf32>
    %mul3A = vector.broadcast %broadcast_in_dim3A : vector<1x368x128xf32> to vector<4x368x128xf32>
    %mul3A_10 = arith.mulf %concatenate3A, %mul3A : vector<4x368x128xf32>
    %get3A_11 = arith.constant 0 : index
    %get3A_12 = arith.constant 0 : index
    %get3A_13 = arith.constant 0 : index
    %get3A_14 = vector.load %arg4[%get3A_11, %get3A_12, %get3A_13] : memref<4x368x128xf32, #tpu.memory_space<vmem>>, vector<4x368x128xf32>
    %add3A = arith.addf %get3A_14, %mul3A_10 : vector<4x368x128xf32>
    %swap3A = arith.constant 0 : index
    %swap3A_15 = arith.constant 0 : index
    %swap3A_16 = arith.constant 0 : index
    %swap3A_17 = vector.load %arg5[%swap3A, %swap3A_15, %swap3A_16] : memref<4x368x128xf32, #tpu.memory_space<vmem>>, vector<4x368x128xf32>
    tpu.vector_store %arg5[%swap3A, %swap3A_15, %swap3A_16], %add3A {strides = array<i32>} : memref<4x368x128xf32, #tpu.memory_space<vmem>>, vector<4x368x128xf32>,
    %mul3A_18 = vector.broadcast %broadcast_in_dim3A : vector<1x368x128xf32> to vector<4x368x128xf32>
    %mul3A_19 = arith.mulf %mul3A_10, %mul3A_18 : vector<4x368x128xf32>
    %swap3A_20 = arith.constant 0 : index
    %swap3A_21 = arith.constant 0 : index
    %swap3A_22 = arith.constant 0 : index
    %swap3A_23 = vector.load %arg6[%swap3A_20, %swap3A_21, %swap3A_22] : memref<4x368x128xf32, #tpu.memory_space<vmem>>, vector<4x368x128xf32>
    tpu.vector_store %arg6[%swap3A_20, %swap3A_21, %swap3A_22], %mul3A_19 {strides = array<i32>} : memref<4x368x128xf32, #tpu.memory_space<vmem>>, vector<4x368x128xf32>,
    return
  }
  func.func @transform_0(%arg0: i32) -> (i32, i32, i32) {
    %c0_i32 = arith.constant 0 : i32
    %c0_i32_0 = arith.constant 0 : i32
    %c0_i32_1 = arith.constant 0 : i32
    return %c0_i32, %arg0, %c0_i32_0 : i32, i32, i32
  }
  func.func @transform_1(%arg0: i32) -> (i32, i32, i32) {
    %c0_i32 = arith.constant 0 : i32
    %c0_i32_0 = arith.constant 0 : i32
    %c0_i32_1 = arith.constant 0 : i32
    return %c0_i32, %arg0, %c0_i32_0 : i32, i32, i32
  }
  func.func @transform_2(%arg0: i32) -> (i32, i32) {
    %c0_i32 = arith.constant 0 : i32
    %c0_i32_0 = arith.constant 0 : i32
    return %arg0, %c0_i32 : i32, i32
  }
  func.func @transform_3(%arg0: i32) -> (i32, i32, i32) {
    %c0_i32 = arith.constant 0 : i32
    %c0_i32_0 = arith.constant 0 : i32
    %c0_i32_1 = arith.constant 0 : i32
    return %c0_i32, %arg0, %c0_i32_0 : i32, i32, i32
  }
  func.func @transform_4(%arg0: i32) -> (i32, i32, i32) {
    %c0_i32 = arith.constant 0 : i32
    %c0_i32_0 = arith.constant 0 : i32
    %c0_i32_1 = arith.constant 0 : i32
    return %c0_i32, %arg0, %c0_i32_0 : i32, i32, i32
  }
  func.func @transform_5(%arg0: i32) -> (i32, i32, i32) {
    %c0_i32 = arith.constant 0 : i32
    %c0_i32_0 = arith.constant 0 : i32
    %c0_i32_1 = arith.constant 0 : i32
    return %c0_i32, %arg0, %c0_i32_0 : i32, i32, i32
  }
}

</mosaic_0001>

<sc_bundles>
// kernel: closed_call.17.cloned.1.call-start
scs
__scs_entry_jumppad:
0x0: {  	(pc) =	sbr.rel $0x88, $3  }
0x1: {  	(tag) =	ssettag $0x0;
	lr =	simm.s32 $0x1  }
0x2: {  	[smem:$0x3F9E] =	sst lr;
	_ =	strace $0xD0000000  }
0x3: {  	_ = 	snop  }
0x4: {  	_ = 	snop  }
0x5: {  	_ = 	snop  }
0x6: {  	_ = 	snop  }
0x7: {  	_ = 	snop  }
__scs_overlays_trampoline_lowered:
0x8: {  	[smem:$0x3FAD] =	sst s0  }
0x9: {  	[smem:$0x3FAE] =	sst s1  }
0xa: {  	[smem:$0x3FAF] =	sst s2  }
0xb: {  	[smem:$0x3FB0] =	sst s3  }
0xc: {  	[smem:$0x3FB1] =	sst s4  }
0xd: {  	[smem:$0x3FB2] =	sst s5  }
0xe: {  	[smem:$0x3FB3] =	sst s6  }
0xf: {  	[smem:$0x3FB4] =	sst s7  }
0x10: {  	[smem:$0x3FB5] =	sst s8  }
0x11: {  	[smem:$0x3FB6] =	sst s9;
	s0 =	simm.s32 @!p0 $0x0  }
0x12: {  	s1 =	sld [smem:$0x3F9C];
	s0 =	simm.s32 @p0 $0x1  }
0x13: {  	[smem:$0x3FB7] =	sst s0;
	s0 =	simm.s32 @!p1 $0x0  }
0x14: {  	s2 =	sld [smem:$0x3F9B];
	s0 =	simm.s32 @p1 $0x1  }
0x15: {  	[smem:$0x3FB8] =	sst s0;
	s0 =	simm.s32 @!p2 $0x0  }
0x16: {  	s3 =	sld [smem:$0x3FDB];
	s0 =	simm.s32 @p2 $0x1  }
0x17: {  	s4 =	simm.s32 $0x1BF5;
	[smem:$0x3FBA] =	sst s0  }
0x18: {  	s0 =	sld [smem:$0x3F9D];
	_ =	swait.ge [sflag:s4], $0x0  }
0x19: {  	s7 =	sld [smem:$0x3F9E]  }
0x1a: {  	s8 =	sadd.s32 $0xFFFFE003, lr  }
0x1b: {  	s9 =	sadd.s32 $0xFFFFFEF7, lr;
	s5 =	simm.s32 $0xFFFFFFFF;
	p2 =	slt.u32 s8, $0xFFFFF086  }
0x1c: {  	p1 =	slt.u32 s9, $0xF7A;
	s5 =	simm.s32 @!p2 $0x0  }
0x1d: {  	s5 =	simm.s32 @p1 $0x1;
	p0 =	seq.s32 s7, s2  }
0x1e: {  	s7 =	smul.u32 @!p0 $0xF7A, s2;
	p2 =	seq.s32 @!p0 s5, $0x0  }
0x1f: {  	s9 =	smul.u32 $0xF7A, s1;
	s8 =	simm.s32 @!p0 $0x1BF5;
	p2 =	por !p2, p0  }
0x20: {  	[sflag:s8] =	ssyncset.s32 @!p0 $0xFFFFF086;
	s6 =	sadd.s32 @!p0 s3, s7;
	s7 =	simm.s32 @!p0 $0x108  }
0x21: {  	s3 =	sadd.s32 s3, s9;
	s6 =	sadd.s32 @!p0 $0x88, s6;
	s7 =	simm.s32 @p2 $0x1082  }
0x22: {  	[simem:s7], [sflag:s8] =	dma.local @!p0 [hbm:s6], $0xF7A  }
0x23: {  	s9 =	sor.u32 $0xD0000000, s2;
	s6 =	simm.s32 $0x108;
	_ =	swait.ge @!p0 [sflag:s8], $0x0  }
0x24: {  	s3 =	sadd.s32 $0x88, s3;
	s6 =	simm.s32 @!p1 $0x1082;
	[sflag:s4] =	ssyncset.s32 $0xFFFFF086  }
0x25: {  	[simem:s6], [sflag:s4] =	dma.local [hbm:s3], $0xF7A  }
0x26: {  	[smem:$0x3F9E] =	sst s1;
	(tag) =	ssettag s2;
	_ =	strace s9  }
0x27: {  	s1 =	sld [smem:$0x3FAE]  }
0x28: {  	s2 =	sld [smem:$0x3FAF]  }
0x29: {  	s4 =	sld [smem:$0x3FB1]  }
0x2a: {  	p0 =	seq.s32 s5, $0x0;
	s5 =	sld [smem:$0x3FB2]  }
0x2b: {  	s6 =	sld [smem:$0x3FB3]  }
0x2c: {  	s7 =	sld [smem:$0x3FB4]  }
0x2d: {  	s3 =	simm.s32 $0x108;
	s8 =	sld [smem:$0x3FB5]  }
0x2e: {  	s3 =	simm.s32 @!p0 $0x1082;
	s9 =	sld [smem:$0x3FB6]  }
0x2f: {  	lr =	sadd.s32 s0, s3;
	s0 =	sld [smem:$0x3FAD]  }
0x30: {  	s3 =	sld [smem:$0x3FB0]  }
0x31: {  	[smem:$0x3FB9] =	sst s10  }
0x32: {  	s10 =	sld [smem:$0x3FB7];
	_ =	sdelay $0x3  }
0x33: {  	p0 =	seq.s32 s10, $0x1;
	s10 =	sld [smem:$0x3FB9];
	_ =	sdelay $0x3  }
0x34: {  	[smem:$0x3FB9] =	sst s10  }
0x35: {  	s10 =	sld [smem:$0x3FB8];
	_ =	sdelay $0x3  }
0x36: {  	p1 =	seq.s32 s10, $0x1;
	s10 =	sld [smem:$0x3FB9];
	_ =	sdelay $0x3  }
0x37: {  	[smem:$0x3FB9] =	sst s10  }
0x38: {  	s10 =	sld [smem:$0x3FBA]  }
0x39: {  	_ = 	snop;
	(pc) =	sbr.ind lr, $3  }
0x3a: {  	_ = 	snop  }
0x3b: {  	_ = 	snop  }
0x3c: {  	p2 =	seq.s32 s10, $0x1;
	s10 =	sld [smem:$0x3FB9]  }
0x3d: {  	_ =	shalt  }
0x3e: {  	_ =	shalt  }
0x3f: {  	_ =	shalt  }
0x40: {  	_ =	shalt  }
0x41: {  	_ =	shalt  }
0x42: {  	_ =	shalt  }
0x43: {  	_ =	shalt  }
0x44: {  	_ =	shalt  }
0x45: {  	_ =	shalt  }
0x46: {  	_ =	shalt  }
0x47: {  	_ =	shalt  }
0x48: {  	_ =	shalt  }
0x49: {  	_ =	shalt  }
0x4a: {  	_ =	shalt  }
0x4b: {  	_ =	shalt  }
0x4c: {  	_ =	shalt  }
0x4d: {  	_ =	shalt  }
0x4e: {  	_ =	shalt  }
0x4f: {  	_ =	shalt  }
0x50: {  	_ =	shalt  }
0x51: {  	_ =	shalt  }
0x52: {  	_ =	shalt  }
0x53: {  	_ =	shalt  }
0x54: {  	_ =	shalt  }
0x55: {  	_ =	shalt  }
0x56: {  	_ =	shalt  }
0x57: {  	_ =	shalt  }
0x58: {  	_ =	shalt  }
0x59: {  	_ =	shalt  }
0x5a: {  	_ =	shalt  }
0x5b: {  	_ =	shalt  }
0x5c: {  	_ =	shalt  }
0x5d: {  	_ =	shalt  }
0x5e: {  	_ =	shalt  }
0x5f: {  	_ =	shalt  }
0x60: {  	_ =	shalt  }
0x61: {  	_ =	shalt  }
0x62: {  	_ =	shalt  }
0x63: {  	_ =	shalt  }
0x64: {  	_ =	shalt  }
0x65: {  	_ =	shalt  }
0x66: {  	_ =	shalt  }
0x67: {  	_ =	shalt  }
0x68: {  	_ =	shalt  }
0x69: {  	_ =	shalt  }
0x6a: {  	_ =	shalt  }
0x6b: {  	_ =	shalt  }
0x6c: {  	_ =	shalt  }
0x6d: {  	_ =	shalt  }
0x6e: {  	_ =	shalt  }
0x6f: {  	_ =	shalt  }
0x70: {  	_ =	shalt  }
0x71: {  	_ =	shalt  }
0x72: {  	_ =	shalt  }
0x73: {  	_ =	shalt  }
0x74: {  	_ =	shalt  }
0x75: {  	_ =	shalt  }
0x76: {  	_ =	shalt  }
0x77: {  	_ =	shalt  }
0x78: {  	_ =	shalt  }
0x79: {  	_ =	shalt  }
0x7a: {  	_ =	shalt  }
0x7b: {  	_ =	shalt  }
0x7c: {  	_ =	shalt  }
0x7d: {  	_ =	shalt  }
0x7e: {  	_ =	shalt  }
0x7f: {  	_ =	shalt  }
0x80: {  	_ =	shalt  }
0x81: {  	_ =	shalt  }
0x82: {  	_ =	shalt  }
0x83: {  	_ =	shalt  }
0x84: {  	_ =	shalt  }
0x85: {  	_ =	shalt  }
0x86: {  	_ =	shalt  }
0x87: {  	_ =	shalt  }
.Lfunc_end0:
.L_simem_size_0:
called_computation_lowered:
.L_overlay_start_0:
0x88: {  	s2 =	sld [smem:$0x3FD9]  }
0x89: {  	s3 =	sld [smem:$0x3FFE];
	_ =	sdelay $0x1  }
0x8a: {  	s1 =	srdreg.scid  }
0x8b: {  	s0 =	sand.u32 $0x1, s1  }
0x8c: {  	s14 =	sshll.u32 s0, $0xA;
	s2 =	sadd.s32 s3, s2  }
0x8d: {  	s2 =	sadd.s32 s2, s14  }
0x8e: {  	[smem:$0x3FC5] =	sst s2  }
0x8f: {  	_ = 	snop  }
0x90: {  	s2 =	sld [smem:$0x3FD0];
	_ =	sdelay $0x2  }
0x91: {  	s15 =	simm.s32 $0xA;
	s4 =	simm.s32 $0x10  }
0x92: {  	[smem:s4], [sflag:s15] =	dma.local [hbm:s2], $0x1  }
0x93: {  	_ =	swait.eq [sflag:s15], $0x1  }
0x94: {  	[sflag:s15] =	ssyncset.done $0x0  }
0x95: {  	[sflag:s15] =	ssyncadd.s32 $0xFFFFFFFF  }
0x96: {  	s16 =	sld [smem:$0x11];
	(tm) =	ssettm $0x1  }
0x97: {  	s17 =	sld [smem:$0x3FFB];
	_ =	sdelay $0x3  }
0x98: {  	_ =	strace s17  }
0x99: {  	s3 =	sld [smem:$0x3FFC];
	_ =	sdelay $0x3  }
0x9a: {  	_ =	strace s3  }
0x9b: {  	s3 =	sld [smem:$0x3FFD];
	_ =	sdelay $0x3  }
0x9c: {  	_ =	strace s3  }
0x9d: {  	_ =	strace $0x8FFFFFFF  }
0x9e: {  	s18 =	sld [smem:$0x3FDB];
	_ =	sdelay $0x1  }
0x9f: {  	s19 =	simm.s32 $_scs_section_size  }
0xa0: {  	s5 =	simm.s32 $_size__tile_overlayer_lowered;
	s6 =	simm.s32 $_tile_overlayer_lowered  }
0xa1: {  	s22 =	simm.s32 $0x1BFF;
	s21 =	sshll.u32 s6, $0x1;
	s3 =	sadd.s32 s19, s18  }
0xa2: {  	s7 =	simm.s32 $0x0;
	s20 =	sshll.u32 s5, $0x1;
	s5 =	sadd.s32 s21, s3  }
0xa3: {  	[timem:s7], [sflag:s22] =	dma.local [hbm:s5], s20  }
0xa4: {  	_ =	swait.ge [sflag:s22], s20  }
0xa5: {  	s4 =	ssub.s32 $0x0, s20;
	[sflag:s22] =	ssyncset.done $0x0  }
0xa6: {  	[sflag:s22] =	ssyncadd.s32 s4;
	_ =	sdelay $0x1  }
0xa7: {  	s23 =	simm.s32 $0x1B8B  }
0xa8: {  	_ =	swait.ge [sflag:s23], $0x1  }
0xa9: {  	[sflag:s23] =	ssyncset.done $0x0  }
0xaa: {  	s25 =	simm.s32 $0x1B8E;
	s24 =	sld [smem:$0x3FFE];
	[sflag:s23] =	ssyncadd.s32 $0xFFFFFFFF  }
0xab: {  	s26 =	simm.s32 $execute0_lowered;
	[smem:$0x3FD2] =	sst s25  }
0xac: {  	s5 =	sshll.u32 s26, $0x1;
	_ =	strace $0x80000046;
	[dreg:$0x1] =	wrdreg $0xFFFFFFFF  }
0xad: {  	s28 =	simm.s32 $_size_execute0_lowered;
	s3 =	sadd.s32 s3, s5;
	[dreg:$0x0] =	wrdreg $0x0  }
0xae: {  	s5 =	sshll.u32 s28, $0x1;
	[dreg:$0x2] =	wrdreg s3  }
0xaf: {  	[dreg:$0x3] =	wrdreg s5  }
0xb0: {  	[dreg:$0x4] =	wrdreg $0xC0  }
0xb1: {  	_ =	task [dreg:s7], $0x5FFFF  }
0xb2: {  	[dreg:$0x1] =	wrdreg $0xFFFFFFFF  }
0xb3: {  	[dreg:$0x0] =	wrdreg $0x60  }
0xb4: {  	[dreg:$0x2] =	wrdreg s24  }
0xb5: {  	[dreg:$0x3] =	wrdreg s16  }
0xb6: {  	[dreg:$0x4] =	wrdreg $0x198000  }
0xb7: {  	[dreg:$0x5] =	wrdreg $0x9  }
0xb8: {  	_ =	task.clear_ibuf [dreg:s7], $0x6FFFF;
	_ =	strace $0x90000046  }
0xb9: {  	s29 =	simm.s32 $0x9;
	_ =	strace $0x80000048  }
0xba: {  	_ =	swait.ge [sflag:s29], $0x1  }
0xbb: {  	[sflag:s29] =	ssyncadd.s32 $0xFFFFFFFF  }
0xbc: {  	_ =	strace $0x90000048  }
0xbd: {  	_ =	sfence  }
0xbe: {  	s30 =	sld [smem:$0x0];
	_ =	sdelay $0x2  }
0xbf: {  	s31 =	sshll.u32 s1, $0xD;
	s1 =	sshrl.u32 s1, $0x2  }
0xc0: {  	s3 =	sand.u32 $0x4000, s31;
	s1 =	sadd.s32 s1, s30  }
0xc1: {  	s0 =	sor.u32 s3, s0;
	s1 =	sshll.u32 s1, $0x11  }
0xc2: {  	s0 =	sor.u32 s1, s0  }
0xc3: {  	s0 =	sadd.s32 $0x8F2B, s0  }
0xc4: {  	[sflag:s0] =	ssyncadd.remote.s32 $0x1  }
0xc5: {  	_ =	sfence.sel $0xFFFF  }
0xc6: {  	[dreg:$0x0] =	wrdreg $0xFFFFFFFF;
	(pc) =	sbr.abs _section_cstart, $3  }
0xc7: {  	[dreg:$0x1] =	wrdreg $0xFFFFFFFF  }
0xc8: {  	_ =	task.clear_ibuf [dreg:s7], $0x2FFFF;
	_ =	strace $0x9FFFFFFF  }
0xc9: {  	(tm) =	ssettm $0x7FFFFFFF  }
tec
execute0_lowered:
.L_overlay_start_1:
0x0: {  	(tag) =	ssettag $0x1  }
0x1: {  	s0 =	rddreg [dreg:$0x0]  }
0x2: {  	s2 =	rddreg [dreg:$0x1]  }
0x3: {  	s1 =	rddreg [dreg:$0x2]  }
0x4: {  	s3 =	srdreg.scid;
	s11 =	stileid.u32  }
0x5: {  	s4 =	simm.s32 $0x0;
	s28 =	simm.s32 $0x18800;
	s9 =	smul.u32 $0x1880, s11  }
0x6: {  	s29 =	simm.s32 $0x80;
	s30 =	simm.s32 $0x19000;
	s6 =	smul.u32 $0x18800, s11  }
0x7: {  	s31 =	simm.s32 $0x1;
	s3 =	sand.u32 $0x1, s3;
	s25 =	smul.u32 $0x6200, s11  }
0x8: {  	[smem:$0x7FF] =	sst s4;
	s4 =	sadd.s32 $0x78F400, s0;
	s5 =	smul.u32 $0x18800, s3  }
0x9: {  	s7 =	smul.u32 $0xC400, s3;
	_ =	strace $0x80000047;
	s3 =	ssub.s32 $0x2, s3  }
0xa: {  	s8 =	sshrl.u32 s3, $0x1;
	s6 =	sshrl.u32 s6, $0x2;
	s26 =	sadd.s32 s2, s9  }
0xb: {  	s20 =	sshrl.u32 s25, $0x3;
	s2 =	sadd.s32 $0x18800, s2;
	s5 =	sadd.s32 s5, s0  }
0xc: {  	s10 =	sadd.s32 s7, s0;
	s3 =	ssub.s32 s3, s8;
	s6 =	sadd.s32 s6, s1  }
0xd: {  	[dreg:$0x5] =	wrdreg s26;
	s0 =	sadd.s32 $0x809800, s0;
	s2 =	sadd.s32 s9, s2  }
0xe: {  	s26 =	simm.s32 $0xC400;
	s5 =	sadd.s32 s9, s5;
	s8 =	sadd.s32 $0x6000, s6  }
0xf: {  	s10 =	sadd.s32 $0x7F1000, s10;
	s3 =	smax.u32 s3, $0x1;
	s11 =	sadd.s32 $0x800, s6  }
0x10: {  	s12 =	sadd.s32 $0x1000, s6;
	s13 =	sadd.s32 $0x1800, s6;
	s14 =	sadd.s32 $0x2000, s6  }
0x11: {  	s15 =	sadd.s32 $0x2800, s6;
	s16 =	sadd.s32 $0x3000, s6;
	s17 =	sadd.s32 $0x3800, s6  }
0x12: {  	s18 =	sadd.s32 $0x4000, s6;
	s19 =	sadd.s32 $0x4800, s6;
	[dreg:$0x8] =	wrdreg s2  }
0x13: {  	s21 =	sadd.s32 $0x5000, s6;
	s0 =	sadd.s32 s7, s0;
	s22 =	sadd.s32 $0x5800, s6  }
0x14: {  	s2 =	simm.s32 $0x18780;
	s5 =	sadd.s32 $0xE0800, s5;
	[dreg:$0x7] =	wrdreg s3  }
0x15: {  	s23 =	sadd.s32 s20, s10;
	s24 =	sadd.s32 s20, s0;
	s0 =	simm.s32 $0x2  }
0x16: {  	s3 =	simm.s32 $0x18700;
	[dreg:$0x4] =	wrdreg s5;
	s5 =	sadd.s32 s25, s1  }
0x17: {  	v0 =	vimm.f32 $0.0e+00;
	s25 =	simm.s32 $0x3;
	[dreg:$0x6] =	wrdreg s5;
	s5 =	simm.s32 $0x0  }
.LBB2_1:
0x18: {  	s7 =	simm.s32 $0x0;
	s9 =	rddreg [dreg:$0x4]  }
0x19: {  	[tilespmem:s7], [sflag:$0x3] =	stream.linear.gather [hbm4b:s9+s7], $0xC400, $0x38;
	[tilespmem:$0x1FA00] =	vst v63  }
0x1a: {  	_ =	swait.ge [sflag:s25], $0xC400  }
0x1b: {  	[sflag:s25] =	ssyncset.done $0x0  }
0x1c: {  	s20 =	rddreg [dreg:$0x5];
	[sflag:s25] =	ssyncadd.s32 $0xFFFF3C00  }
0x1d: {  	[tilespmem:s26], [sflag:$0x3] =	stream.linear.gather [hbm4b:s20+s7], $0xC400, $0x38;
	[tilespmem:$0x1FA00] =	vst v63  }
0x1e: {  	_ =	swait.ge [sflag:s25], $0xC400  }
0x1f: {  	[sflag:s25] =	ssyncset.done $0x0  }
0x20: {  	s9 =	simm.s32 $0x0;
	s7 =	simm.s32 $0x40;
	[sflag:s25] =	ssyncadd.s32 $0xFFFF3C00  }
.LBB2_2:
0x21: {  	p0 =	sne.s32 s7, $0x1FC0;
	[tilespmem:s9+$0x18800] =	vst v0;
	s9 =	smov.u32 s7;
	s7 =	sadd.s32 $0x40, s7  }
.Ltmp0:
0x22: {  	(pc) =	sbr.rel @p0 .LBB2_2-.Ltmp0, $2  }
0x23: {  	_ =	sdelay $0x2  }
0x24: {  	s9 =	sshra.s32 s9, $0x2  }
0x25: {  	[tilespmem:s9+$0x18800] =	vst v0  }
0x26: {  	[spmem:s6] =	stream.linear.scatter [tilespmem:s28], [sflag:$0x3], $0x800, $0x38;
	[tilespmem:$0x1FA00] =	vst v63  }
0x27: {  	_ =	swait.ge [sflag:s25], $0x800  }
0x28: {  	[sflag:s25] =	ssyncset.done $0x0  }
0x29: {  	[sflag:s25] =	ssyncadd.s32 $0xFFFFF800  }
0x2a: {  	[spmem:s11] =	stream.linear.scatter [tilespmem:s28], [sflag:$0x3], $0x800, $0x38;
	[tilespmem:$0x1FA00] =	vst v63  }
0x2b: {  	_ =	swait.ge [sflag:s25], $0x800  }
0x2c: {  	[sflag:s25] =	ssyncset.done $0x0  }
0x2d: {  	[sflag:s25] =	ssyncadd.s32 $0xFFFFF800  }
0x2e: {  	[spmem:s12] =	stream.linear.scatter [tilespmem:s28], [sflag:$0x3], $0x800, $0x38;
	[tilespmem:$0x1FA00] =	vst v63  }
0x2f: {  	_ =	swait.ge [sflag:s25], $0x800  }
0x30: {  	[sflag:s25] =	ssyncset.done $0x0  }
0x31: {  	[sflag:s25] =	ssyncadd.s32 $0xFFFFF800  }
0x32: {  	[spmem:s13] =	stream.linear.scatter [tilespmem:s28], [sflag:$0x3], $0x800, $0x38;
	[tilespmem:$0x1FA00] =	vst v63  }
0x33: {  	_ =	swait.ge [sflag:s25], $0x800  }
0x34: {  	[sflag:s25] =	ssyncset.done $0x0  }
0x35: {  	[sflag:s25] =	ssyncadd.s32 $0xFFFFF800  }
0x36: {  	[spmem:s14] =	stream.linear.scatter [tilespmem:s28], [sflag:$0x3], $0x800, $0x38;
	[tilespmem:$0x1FA00] =	vst v63  }
0x37: {  	_ =	swait.ge [sflag:s25], $0x800  }
0x38: {  	[sflag:s25] =	ssyncset.done $0x0  }
0x39: {  	[sflag:s25] =	ssyncadd.s32 $0xFFFFF800  }
0x3a: {  	[spmem:s15] =	stream.linear.scatter [tilespmem:s28], [sflag:$0x3], $0x800, $0x38;
	[tilespmem:$0x1FA00] =	vst v63  }
0x3b: {  	_ =	swait.ge [sflag:s25], $0x800  }
0x3c: {  	[sflag:s25] =	ssyncset.done $0x0  }
0x3d: {  	[sflag:s25] =	ssyncadd.s32 $0xFFFFF800  }
0x3e: {  	[spmem:s16] =	stream.linear.scatter [tilespmem:s28], [sflag:$0x3], $0x800, $0x38;
	[tilespmem:$0x1FA00] =	vst v63  }
0x3f: {  	_ =	swait.ge [sflag:s25], $0x800  }
0x40: {  	[sflag:s25] =	ssyncset.done $0x0  }
0x41: {  	[sflag:s25] =	ssyncadd.s32 $0xFFFFF800  }
0x42: {  	[spmem:s17] =	stream.linear.scatter [tilespmem:s28], [sflag:$0x3], $0x800, $0x38;
	[tilespmem:$0x1FA00] =	vst v63  }
0x43: {  	_ =	swait.ge [sflag:s25], $0x800  }
0x44: {  	[sflag:s25] =	ssyncset.done $0x0  }
0x45: {  	[sflag:s25] =	ssyncadd.s32 $0xFFFFF800  }
0x46: {  	[spmem:s18] =	stream.linear.scatter [tilespmem:s28], [sflag:$0x3], $0x800, $0x38;
	[tilespmem:$0x1FA00] =	vst v63  }
0x47: {  	_ =	swait.ge [sflag:s25], $0x800  }
0x48: {  	[sflag:s25] =	ssyncset.done $0x0  }
0x49: {  	[sflag:s25] =	ssyncadd.s32 $0xFFFFF800  }
0x4a: {  	[spmem:s19] =	stream.linear.scatter [tilespmem:s28], [sflag:$0x3], $0x800, $0x38;
	[tilespmem:$0x1FA00] =	vst v63  }
0x4b: {  	_ =	swait.ge [sflag:s25], $0x800  }
0x4c: {  	[sflag:s25] =	ssyncset.done $0x0  }
0x4d: {  	[sflag:s25] =	ssyncadd.s32 $0xFFFFF800  }
0x4e: {  	[spmem:s21] =	stream.linear.scatter [tilespmem:s28], [sflag:$0x3], $0x800, $0x38;
	[tilespmem:$0x1FA00] =	vst v63  }
0x4f: {  	_ =	swait.ge [sflag:s25], $0x800  }
0x50: {  	[sflag:s25] =	ssyncset.done $0x0  }
0x51: {  	[sflag:s25] =	ssyncadd.s32 $0xFFFFF800  }
0x52: {  	[spmem:s22] =	stream.linear.scatter [tilespmem:s28], [sflag:$0x3], $0x800, $0x38;
	[tilespmem:$0x1FA00] =	vst v63  }
0x53: {  	_ =	swait.ge [sflag:s25], $0x800  }
0x54: {  	[sflag:s25] =	ssyncset.done $0x0  }
0x55: {  	[sflag:s25] =	ssyncadd.s32 $0xFFFFF800  }
0x56: {  	[spmem:s8] =	stream.linear.scatter [tilespmem:s28], [sflag:$0x3], $0x200, $0x38;
	[tilespmem:$0x1FA00] =	vst v63  }
0x57: {  	_ =	swait.ge [sflag:s25], $0x200  }
0x58: {  	[sflag:s25] =	ssyncset.done $0x0  }
0x59: {  	[sflag:s25] =	ssyncadd.s32 $0xFFFFFE00  }
0x5a: {  	s7 =	simm.s32 $0x0;
	[bflag:$0x0] =	sbarrier.arrive $0xFFFF  }
0x5b: {  	[tilespmem:s28], [sflag:$0x1] =	stream.indirect.gather [hbm4b:s4+s29], $0x10, s7, s29, $0xb8;
	[tilespmem:$0x1FA00] =	vst v63  }
0x5c: {  	_ = 	snop  }
0x5d: {  	[tilespmem:s30], [sflag:$0x2] =	stream.indirect.gather [hbm4b:s4+s29], $0x10, s29, s29, $0xb8;
	[tilespmem:$0x1FA00] =	vst v63  }
0x5e: {  	_ =	swait.ge [sflag:s31], $0x800  }
0x5f: {  	[sflag:s31] =	ssyncset.done $0x0  }
0x60: {  	s9 =	simm.s32 $0xC400;
	[sflag:s31] =	ssyncadd.s32 $0xFFFFF800  }
0x61: {  	[spmem:s1] =	stream.indirect.scatter.add.f32 [tilespmem:s28], [sflag:$0x3], $0x10, s9, s29, $0xb8;
	[tilespmem:$0x1FA00] =	vst v63  }
0x62: {  	_ =	swait.ge [sflag:s25], $0x800  }
0x63: {  	[sflag:s25] =	ssyncset.done $0x0  }
0x64: {  	s10 =	simm.s32 $0x100;
	[sflag:s25] =	ssyncadd.s32 $0xFFFFF800  }
0x65: {  	[tilespmem:s28], [sflag:$0x1] =	stream.indirect.gather [hbm4b:s4+s29], $0x10, s10, s29, $0xb8;
	[tilespmem:$0x1FA00] =	vst v63  }
0x66: {  	_ =	swait.ge [sflag:s0], $0x800  }
0x67: {  	[sflag:s0] =	ssyncset.done $0x0  }
0x68: {  	s20 =	simm.s32 $0xC480;
	[sflag:s0] =	ssyncadd.s32 $0xFFFFF800  }
0x69: {  	[spmem:s1] =	stream.indirect.scatter.add.f32 [tilespmem:s30], [sflag:$0x3], $0x10, s20, s29, $0xb8;
	[tilespmem:$0x1FA00] =	vst v63  }
0x6a: {  	_ =	swait.ge [sflag:s25], $0x800  }
0x6b: {  	[sflag:s25] =	ssyncset.done $0x0  }
0x6c: {  	s7 =	simm.s32 $0x400;
	s9 =	simm.s32 $0x180;
	[sflag:s25] =	ssyncadd.s32 $0xFFFFF800  }
.LBB2_4:
0x6d: {  	[tilespmem:s30], [sflag:$0x2] =	stream.indirect.gather [hbm4b:s4+s29], $0x10, s9, s29, $0xb8;
	[tilespmem:$0x1FA00] =	vst v63  }
0x6e: {  	s9 =	smov.u32 s7  }
0x6f: {  	p0 =	sne.s32 s7, $0x30800;
	s7 =	sadd.s32 $0x400, s7;
	_ =	swait.ge [sflag:s31], $0x800  }
0x70: {  	s9 =	sshra.s32 s9, $0x2;
	[sflag:s31] =	ssyncset.done $0x0  }
0x71: {  	s10 =	sadd.s32 $0xC400, s9;
	[sflag:s31] =	ssyncadd.s32 $0xFFFFF800  }
0x72: {  	[spmem:s1] =	stream.indirect.scatter.add.f32 [tilespmem:s28], [sflag:$0x3], $0x10, s10, s29, $0xb8;
	[tilespmem:$0x1FA00] =	vst v63  }
0x73: {  	_ =	swait.ge [sflag:s25], $0x800  }
0x74: {  	[sflag:s25] =	ssyncset.done $0x0  }
0x75: {  	s10 =	sadd.s32 $0x100, s9;
	[sflag:s25] =	ssyncadd.s32 $0xFFFFF800  }
0x76: {  	[tilespmem:s28], [sflag:$0x1] =	stream.indirect.gather [hbm4b:s4+s29], $0x10, s10, s29, $0xb8;
	[tilespmem:$0x1FA00] =	vst v63  }
0x77: {  	_ =	swait.ge [sflag:s0], $0x800  }
0x78: {  	[sflag:s0] =	ssyncset.done $0x0  }
.Ltmp1:
0x79: {  	s10 =	sadd.s32 $0xC480, s9;
	[sflag:s0] =	ssyncadd.s32 $0xFFFFF800;
	(pc) =	sbr.rel @p0 .LBB2_4-.Ltmp1, $4  }
0x7a: {  	[spmem:s1] =	stream.indirect.scatter.add.f32 [tilespmem:s30], [sflag:$0x3], $0x10, s10, s29, $0xb8;
	[tilespmem:$0x1FA00] =	vst v63  }
0x7b: {  	_ =	swait.ge [sflag:s25], $0x800  }
0x7c: {  	[sflag:s25] =	ssyncset.done $0x0  }
0x7d: {  	s9 =	sadd.s32 $0x180, s9;
	[sflag:s25] =	ssyncadd.s32 $0xFFFFF800  }
0x7e: {  	[tilespmem:s30], [sflag:$0x2] =	stream.indirect.gather [hbm4b:s4+s29], $0x10, s9, s29, $0xb8;
	[tilespmem:$0x1FA00] =	vst v63  }
0x7f: {  	_ =	swait.ge [sflag:s31], $0x800  }
0x80: {  	[sflag:s31] =	ssyncset.done $0x0  }
0x81: {  	[sflag:s31] =	ssyncadd.s32 $0xFFFFF800  }
0x82: {  	[spmem:s1] =	stream.indirect.scatter.add.f32 [tilespmem:s28], [sflag:$0x3], $0x10, s3, s29, $0xb8;
	[tilespmem:$0x1FA00] =	vst v63  }
0x83: {  	_ =	swait.ge [sflag:s25], $0x800  }
0x84: {  	[sflag:s25] =	ssyncset.done $0x0  }
0x85: {  	[sflag:s25] =	ssyncadd.s32 $0xFFFFF800  }
0x86: {  	_ =	swait.ge [sflag:s0], $0x800  }
0x87: {  	[sflag:s0] =	ssyncset.done $0x0  }
0x88: {  	[sflag:s0] =	ssyncadd.s32 $0xFFFFF800  }
0x89: {  	[spmem:s1] =	stream.indirect.scatter.add.f32 [tilespmem:s30], [sflag:$0x3], $0x10, s2, s29, $0xb8;
	[tilespmem:$0x1FA00] =	vst v63  }
0x8a: {  	_ =	swait.ge [sflag:s25], $0x800  }
0x8b: {  	[sflag:s25] =	ssyncset.done $0x0  }
0x8c: {  	[sflag:s25] =	ssyncadd.s32 $0xFFFFF800  }
0x8d: {  	s7 =	stileid.u32;
	[bflag:$0x0] =	sbarrier.arrive $0xFFFF  }
0x8e: {  	s7 =	sshll.u32 s7, $0x6;
	s20 =	rddreg [dreg:$0x6]  }
0x8f: {  	s7 =	sor.u32 $0x1C03, s7;
	s9 =	sshrl.u32 s20, $0x3  }
0x90: {  	[hbm:s23], [sflag:s7] =	dma.local [spmem:s9], $0xC40  }
0x91: {  	_ =	swait.ge [sflag:s25], $0xC40  }
0x92: {  	[sflag:s25] =	ssyncset.done $0x0  }
0x93: {  	s10 =	simm.s32 $0x0;
	s20 =	rddreg [dreg:$0x8];
	[sflag:s25] =	ssyncadd.s32 $0xFFFFF3C0  }
0x94: {  	[tilespmem:s26], [sflag:$0x3] =	stream.linear.gather [hbm4b:s20+s10], $0xC400, $0x38;
	[tilespmem:$0x1FA00] =	vst v63  }
0x95: {  	_ =	swait.ge [sflag:s25], $0xC400  }
0x96: {  	[sflag:s25] =	ssyncset.done $0x0  }
0x97: {  	s10 =	simm.s32 $0x40;
	s20 =	simm.s32 $0x0;
	[sflag:s25] =	ssyncadd.s32 $0xFFFF3C00  }
.LBB2_6:
0x98: {  	p0 =	sne.s32 s10, $0x1FC0;
	[tilespmem:s20+$0x18800] =	vst v0;
	s20 =	smov.u32 s10;
	s10 =	sadd.s32 $0x40, s10  }
.Ltmp2:
0x99: {  	(pc) =	sbr.rel @p0 .LBB2_6-.Ltmp2, $2  }
0x9a: {  	_ =	sdelay $0x2  }
0x9b: {  	s20 =	sshra.s32 s20, $0x2  }
0x9c: {  	[tilespmem:s20+$0x18800] =	vst v0  }
0x9d: {  	[spmem:s6] =	stream.linear.scatter [tilespmem:s28], [sflag:$0x3], $0x800, $0x38;
	[tilespmem:$0x1FA00] =	vst v63  }
0x9e: {  	_ =	swait.ge [sflag:s25], $0x800  }
0x9f: {  	[sflag:s25] =	ssyncset.done $0x0  }
0xa0: {  	[sflag:s25] =	ssyncadd.s32 $0xFFFFF800  }
0xa1: {  	[spmem:s11] =	stream.linear.scatter [tilespmem:s28], [sflag:$0x3], $0x800, $0x38;
	[tilespmem:$0x1FA00] =	vst v63  }
0xa2: {  	_ =	swait.ge [sflag:s25], $0x800  }
0xa3: {  	[sflag:s25] =	ssyncset.done $0x0  }
0xa4: {  	[sflag:s25] =	ssyncadd.s32 $0xFFFFF800  }
0xa5: {  	[spmem:s12] =	stream.linear.scatter [tilespmem:s28], [sflag:$0x3], $0x800, $0x38;
	[tilespmem:$0x1FA00] =	vst v63  }
0xa6: {  	_ =	swait.ge [sflag:s25], $0x800  }
0xa7: {  	[sflag:s25] =	ssyncset.done $0x0  }
0xa8: {  	[sflag:s25] =	ssyncadd.s32 $0xFFFFF800  }
0xa9: {  	[spmem:s13] =	stream.linear.scatter [tilespmem:s28], [sflag:$0x3], $0x800, $0x38;
	[tilespmem:$0x1FA00] =	vst v63  }
0xaa: {  	_ =	swait.ge [sflag:s25], $0x800  }
0xab: {  	[sflag:s25] =	ssyncset.done $0x0  }
0xac: {  	[sflag:s25] =	ssyncadd.s32 $0xFFFFF800  }
0xad: {  	[spmem:s14] =	stream.linear.scatter [tilespmem:s28], [sflag:$0x3], $0x800, $0x38;
	[tilespmem:$0x1FA00] =	vst v63  }
0xae: {  	_ =	swait.ge [sflag:s25], $0x800  }
0xaf: {  	[sflag:s25] =	ssyncset.done $0x0  }
0xb0: {  	[sflag:s25] =	ssyncadd.s32 $0xFFFFF800  }
0xb1: {  	[spmem:s15] =	stream.linear.scatter [tilespmem:s28], [sflag:$0x3], $0x800, $0x38;
	[tilespmem:$0x1FA00] =	vst v63  }
0xb2: {  	_ =	swait.ge [sflag:s25], $0x800  }
0xb3: {  	[sflag:s25] =	ssyncset.done $0x0  }
0xb4: {  	[sflag:s25] =	ssyncadd.s32 $0xFFFFF800  }
0xb5: {  	[spmem:s16] =	stream.linear.scatter [tilespmem:s28], [sflag:$0x3], $0x800, $0x38;
	[tilespmem:$0x1FA00] =	vst v63  }
0xb6: {  	_ =	swait.ge [sflag:s25], $0x800  }
0xb7: {  	[sflag:s25] =	ssyncset.done $0x0  }
0xb8: {  	[sflag:s25] =	ssyncadd.s32 $0xFFFFF800  }
0xb9: {  	[spmem:s17] =	stream.linear.scatter [tilespmem:s28], [sflag:$0x3], $0x800, $0x38;
	[tilespmem:$0x1FA00] =	vst v63  }
0xba: {  	_ =	swait.ge [sflag:s25], $0x800  }
0xbb: {  	[sflag:s25] =	ssyncset.done $0x0  }
0xbc: {  	[sflag:s25] =	ssyncadd.s32 $0xFFFFF800  }
0xbd: {  	[spmem:s18] =	stream.linear.scatter [tilespmem:s28], [sflag:$0x3], $0x800, $0x38;
	[tilespmem:$0x1FA00] =	vst v63  }
0xbe: {  	_ =	swait.ge [sflag:s25], $0x800  }
0xbf: {  	[sflag:s25] =	ssyncset.done $0x0  }
0xc0: {  	[sflag:s25] =	ssyncadd.s32 $0xFFFFF800  }
0xc1: {  	[spmem:s19] =	stream.linear.scatter [tilespmem:s28], [sflag:$0x3], $0x800, $0x38;
	[tilespmem:$0x1FA00] =	vst v63  }
0xc2: {  	_ =	swait.ge [sflag:s25], $0x800  }
0xc3: {  	[sflag:s25] =	ssyncset.done $0x0  }
0xc4: {  	[sflag:s25] =	ssyncadd.s32 $0xFFFFF800  }
0xc5: {  	[spmem:s21] =	stream.linear.scatter [tilespmem:s28], [sflag:$0x3], $0x800, $0x38;
	[tilespmem:$0x1FA00] =	vst v63  }
0xc6: {  	_ =	swait.ge [sflag:s25], $0x800  }
0xc7: {  	[sflag:s25] =	ssyncset.done $0x0  }
0xc8: {  	[sflag:s25] =	ssyncadd.s32 $0xFFFFF800  }
0xc9: {  	[spmem:s22] =	stream.linear.scatter [tilespmem:s28], [sflag:$0x3], $0x800, $0x38;
	[tilespmem:$0x1FA00] =	vst v63  }
0xca: {  	_ =	swait.ge [sflag:s25], $0x800  }
0xcb: {  	[sflag:s25] =	ssyncset.done $0x0  }
0xcc: {  	[sflag:s25] =	ssyncadd.s32 $0xFFFFF800  }
0xcd: {  	[spmem:s8] =	stream.linear.scatter [tilespmem:s28], [sflag:$0x3], $0x200, $0x38;
	[tilespmem:$0x1FA00] =	vst v63  }
0xce: {  	_ =	swait.ge [sflag:s25], $0x200  }
0xcf: {  	[sflag:s25] =	ssyncset.done $0x0  }
0xd0: {  	[sflag:s25] =	ssyncadd.s32 $0xFFFFFE00  }
0xd1: {  	s10 =	simm.s32 $0x0;
	[bflag:$0x0] =	sbarrier.arrive $0xFFFF  }
0xd2: {  	[tilespmem:s28], [sflag:$0x1] =	stream.indirect.gather [hbm4b:s4+s29], $0x10, s10, s29, $0xb8;
	[tilespmem:$0x1FA00] =	vst v63  }
0xd3: {  	_ = 	snop  }
0xd4: {  	[tilespmem:s30], [sflag:$0x2] =	stream.indirect.gather [hbm4b:s4+s29], $0x10, s29, s29, $0xb8;
	[tilespmem:$0x1FA00] =	vst v63  }
0xd5: {  	_ =	swait.ge [sflag:s31], $0x800  }
0xd6: {  	[sflag:s31] =	ssyncset.done $0x0  }
0xd7: {  	s26 =	simm.s32 $0xC400;
	[sflag:s31] =	ssyncadd.s32 $0xFFFFF800  }
0xd8: {  	[spmem:s1] =	stream.indirect.scatter.add.f32 [tilespmem:s28], [sflag:$0x3], $0x10, s26, s29, $0xb8;
	[tilespmem:$0x1FA00] =	vst v63  }
0xd9: {  	_ =	swait.ge [sflag:s25], $0x800  }
0xda: {  	[sflag:s25] =	ssyncset.done $0x0  }
0xdb: {  	s20 =	simm.s32 $0x100;
	[sflag:s25] =	ssyncadd.s32 $0xFFFFF800  }
0xdc: {  	[tilespmem:s28], [sflag:$0x1] =	stream.indirect.gather [hbm4b:s4+s29], $0x10, s20, s29, $0xb8;
	[tilespmem:$0x1FA00] =	vst v63  }
0xdd: {  	_ =	swait.ge [sflag:s0], $0x800  }
0xde: {  	[sflag:s0] =	ssyncset.done $0x0  }
0xdf: {  	s26 =	simm.s32 $0xC480;
	[sflag:s0] =	ssyncadd.s32 $0xFFFFF800  }
0xe0: {  	[spmem:s1] =	stream.indirect.scatter.add.f32 [tilespmem:s30], [sflag:$0x3], $0x10, s26, s29, $0xb8;
	[tilespmem:$0x1FA00] =	vst v63  }
0xe1: {  	_ =	swait.ge [sflag:s25], $0x800  }
0xe2: {  	[sflag:s25] =	ssyncset.done $0x0  }
0xe3: {  	s10 =	simm.s32 $0x400;
	s20 =	simm.s32 $0x180;
	[sflag:s25] =	ssyncadd.s32 $0xFFFFF800  }
.LBB2_8:
0xe4: {  	[tilespmem:s30], [sflag:$0x2] =	stream.indirect.gather [hbm4b:s4+s29], $0x10, s20, s29, $0xb8;
	[tilespmem:$0x1FA00] =	vst v63  }
0xe5: {  	s20 =	smov.u32 s10  }
0xe6: {  	p0 =	sne.s32 s10, $0x30800;
	s10 =	sadd.s32 $0x400, s10;
	_ =	swait.ge [sflag:s31], $0x800  }
0xe7: {  	s20 =	sshra.s32 s20, $0x2;
	[sflag:s31] =	ssyncset.done $0x0  }
0xe8: {  	s26 =	sadd.s32 $0xC400, s20;
	[sflag:s31] =	ssyncadd.s32 $0xFFFFF800  }
0xe9: {  	[spmem:s1] =	stream.indirect.scatter.add.f32 [tilespmem:s28], [sflag:$0x3], $0x10, s26, s29, $0xb8;
	[tilespmem:$0x1FA00] =	vst v63  }
0xea: {  	_ =	swait.ge [sflag:s25], $0x800  }
0xeb: {  	[sflag:s25] =	ssyncset.done $0x0  }
0xec: {  	s26 =	sadd.s32 $0x100, s20;
	[sflag:s25] =	ssyncadd.s32 $0xFFFFF800  }
0xed: {  	[tilespmem:s28], [sflag:$0x1] =	stream.indirect.gather [hbm4b:s4+s29], $0x10, s26, s29, $0xb8;
	[tilespmem:$0x1FA00] =	vst v63  }
0xee: {  	_ =	swait.ge [sflag:s0], $0x800  }
0xef: {  	[sflag:s0] =	ssyncset.done $0x0  }
.Ltmp3:
0xf0: {  	s26 =	sadd.s32 $0xC480, s20;
	[sflag:s0] =	ssyncadd.s32 $0xFFFFF800;
	(pc) =	sbr.rel @p0 .LBB2_8-.Ltmp3, $4  }
0xf1: {  	[spmem:s1] =	stream.indirect.scatter.add.f32 [tilespmem:s30], [sflag:$0x3], $0x10, s26, s29, $0xb8;
	[tilespmem:$0x1FA00] =	vst v63  }
0xf2: {  	_ =	swait.ge [sflag:s25], $0x800  }
0xf3: {  	[sflag:s25] =	ssyncset.done $0x0  }
0xf4: {  	s20 =	sadd.s32 $0x180, s20;
	[sflag:s25] =	ssyncadd.s32 $0xFFFFF800  }
0xf5: {  	[tilespmem:s30], [sflag:$0x2] =	stream.indirect.gather [hbm4b:s4+s29], $0x10, s20, s29, $0xb8;
	[tilespmem:$0x1FA00] =	vst v63  }
0xf6: {  	_ =	swait.ge [sflag:s31], $0x800  }
0xf7: {  	[sflag:s31] =	ssyncset.done $0x0  }
0xf8: {  	[sflag:s31] =	ssyncadd.s32 $0xFFFFF800  }
0xf9: {  	[spmem:s1] =	stream.indirect.scatter.add.f32 [tilespmem:s28], [sflag:$0x3], $0x10, s3, s29, $0xb8;
	[tilespmem:$0x1FA00] =	vst v63  }
0xfa: {  	_ =	swait.ge [sflag:s25], $0x800  }
0xfb: {  	[sflag:s25] =	ssyncset.done $0x0  }
0xfc: {  	[sflag:s25] =	ssyncadd.s32 $0xFFFFF800  }
0xfd: {  	_ =	swait.ge [sflag:s0], $0x800  }
0xfe: {  	[sflag:s0] =	ssyncset.done $0x0  }
0xff: {  	[sflag:s0] =	ssyncadd.s32 $0xFFFFF800  }
0x100: {  	[spmem:s1] =	stream.indirect.scatter.add.f32 [tilespmem:s30], [sflag:$0x3], $0x10, s2, s29, $0xb8;
	[tilespmem:$0x1FA00] =	vst v63  }
0x101: {  	_ =	swait.ge [sflag:s25], $0x800  }
0x102: {  	[sflag:s25] =	ssyncset.done $0x0  }
0x103: {  	[sflag:s25] =	ssyncadd.s32 $0xFFFFF800  }
0x104: {  	[bflag:$0x0] =	sbarrier.arrive $0xFFFF  }
0x105: {  	[hbm:s24], [sflag:s7] =	dma.local [spmem:s9], $0xC40  }
0x106: {  	_ =	swait.ge [sflag:s25], $0xC40  }
0x107: {  	s5 =	sadd.s32 $0x1, s5;
	s26 =	rddreg [dreg:$0x7]  }
0x108: {  	p0 =	sne.s32 s5, s26  }
.Ltmp4:
0x109: {  	_ = 	snop;
	(pc) =	sbr.rel @p0 .LBB2_1-.Ltmp4, $3  }
0x10a: {  	_ =	sdelay $0x1  }
0x10b: {  	[sflag:s25] =	ssyncset.done $0x0  }
0x10c: {  	[sflag:s25] =	ssyncadd.s32 $0xFFFFF3C0;
	s26 =	simm.s32 $0xC400  }
0x10d: {  	_ =	sfence.sel $0x180000  }
0x10e: {  	[bflag:$0x0] =	sbarrier.arrive $0xFFFF  }
0x10f: {  	_ =	strace $0x90000047  }
0x110: {  	s0 =	stileid.u32;
	[bflag:$0x2] =	sbarrier.arrive $0xFFFF  }
0x111: {  	p0 =	sne.s32 s0, $0x0;
	s0 =	rddreg [dreg:$0x3]  }
0x112: {  	s0 =	sadd.s32 @!p0 $0x100000, s0  }
0x113: {  	[sflag:s0] =	ssyncadd.tile.s32 @!p0 $0x1;
	_ =	shalt  }
.Lfunc_end2:
_tile_overlayer_lowered:
.L_overlay_start_2:
0x114: {  	(tag) =	ssettag $0x2  }
0x115: {  	s0 =	rddreg [dreg:$0x0];
	s2 =	stileid.u32  }
0x116: {  	s1 =	rddreg [dreg:$0x1];
	p0 =	sne.s32 s2, $0x0  }
0x117: {  	s3 =	rddreg [dreg:$0x2];
	[bflag:$0x3] =	sbarrier.arrive $0xFFFF;
	s2 =	simm.s32 @!p0 $0x1C03  }
0x118: {  	[timem:s3], [sflag:s2] =	dma.local @!p0 [hbm:s0], s1  }
0x119: {  	s0 =	simm.s32 @!p0 $0x3  }
0x11a: {  	_ =	swait.ge @!p0 [sflag:s0], s1  }
0x11b: {  	s1 =	ssub.s32 @!p0 $0x0, s1;
	[sflag:s0] =	ssyncset.done @!p0 $0x0  }
0x11c: {  	[sflag:s0] =	ssyncadd.s32 @!p0 s1  }
0x11d: {  	[bflag:$0x3] =	sbarrier.arrive $0xFFFF  }
0x11e: {  	_ =	shalt  }

</sc_bundles>
